<compile_context>
chip_gen: v7x
topology: tpu7x:2x2x1
jax: 0.10.2.dev20260603
libtpu: 0.0.44.dev20260713+nightly
codegen_flags: <defaults>
</compile_context>

<pallas_src>
import functools

import jax
import jax.numpy as jnp
from jax import lax
from jax.experimental import pallas as pl
from jax.experimental.pallas import tpu as pltpu
from jax.experimental.pallas import tpu_sc as plsc

Q = 16384
N = 4096
KNN = 11
POOL = 14
TQ = 256


def _cand_kernel(p_ref, ct_ref, idx_ref):
    p = p_ref[...]
    ct = ct_ref[...]
    cn = jnp.sum(ct * ct, axis=0, keepdims=True)
    pn = jnp.sum(p * p, axis=1, keepdims=True)
    d2 = (pn + cn) - 2.0 * jnp.dot(p, ct, preferred_element_type=jnp.float32,
                                   precision=jax.lax.Precision.HIGHEST)
    iota = lax.broadcasted_iota(jnp.int32, (TQ, N), 1)
    kb = lax.bitcast_convert_type(d2, jnp.int32)
    key = lax.bitcast_convert_type((kb & jnp.int32(-4096)) | iota,
                                   jnp.float32)
    cols = []
    for k in range(POOL):
        m = jnp.min(key, axis=1, keepdims=True)
        cols.append(m)
        if k + 1 < POOL:
            key = jnp.where(key <= m, jnp.float32(jnp.inf), key)
    cols += [cols[0]] * (16 - POOL)
    packed = jnp.concatenate(cols, axis=1)
    idx_ref[...] = lax.bitcast_convert_type(packed, jnp.int32) & jnp.int32(0xFFF)


def _lex_lt(da, ia, db, ib):
    return (da < db) | ((da == db) & (ia < ib))


def _sc_edge_body(px_h, py_h, pz_h, cx_h, cy_h, cz_h, idx_h, out_h,
                  px_v, py_v, pz_v, cx_v, cy_v, cz_v, idx_v, out_v):
    info = plsc.get_sparse_core_info()
    nc, ns, L = info.num_cores, info.num_subcores, info.num_lanes
    qpw = Q // (nc * ns)
    wid = lax.axis_index("s") * nc + lax.axis_index("c")
    base = wid * qpw

    pltpu.sync_copy(px_h.at[pl.ds(base, qpw)], px_v)
    pltpu.sync_copy(py_h.at[pl.ds(base, qpw)], py_v)
    pltpu.sync_copy(pz_h.at[pl.ds(base, qpw)], pz_v)
    pltpu.sync_copy(cx_h, cx_v)
    pltpu.sync_copy(cy_h, cy_v)
    pltpu.sync_copy(cz_h, cz_v)
    pltpu.sync_copy(idx_h.at[pl.ds(base * 16, qpw * 16)], idx_v)

    lane = lax.broadcasted_iota(jnp.int32, (L,), 0)
    inf = jnp.full((L,), jnp.inf, jnp.float32)
    ninf = jnp.full((L,), -jnp.inf, jnp.float32)
    false = lane < 0

    def step(j, _):
        qoff = j * L
        px = px_v[pl.ds(qoff, L)]
        py = py_v[pl.ds(qoff, L)]
        pz = pz_v[pl.ds(qoff, L)]
        ibase = qoff * 16 + lane * 16
        iks, d2s = [], []
        for k in range(POOL):
            ik = plsc.load_gather(idx_v, [ibase + k])
            dx = px - plsc.load_gather(cx_v, [ik])
            dy = py - plsc.load_gather(cy_v, [ik])
            dz = pz - plsc.load_gather(cz_v, [ik])
            iks.append(ik)
            d2s.append((dx * dx + dy * dy) + dz * dz)
        d0, i0 = d2s[0], iks[0]
        for k in range(1, POOL):
            lt = _lex_lt(d2s[k], iks[k], d0, i0)
            d0 = jnp.where(lt, d2s[k], d0)
            i0 = jnp.where(lt, iks[k], i0)
        excl = [false] * POOL
        for _ in range(POOL - KNN):
            dm, im = ninf, lane
            for k in range(POOL):
                dk = jnp.where(excl[k], ninf, d2s[k])
                gt = _lex_lt(dm, im, dk, iks[k])
                dm = jnp.where(gt, dk, dm)
                im = jnp.where(gt, iks[k], im)
            for k in range(POOL):
                excl[k] = excl[k] | ((d2s[k] == dm) & (iks[k] == im))
        c0x = plsc.load_gather(cx_v, [i0])
        c0y = plsc.load_gather(cy_v, [i0])
        c0z = plsc.load_gather(cz_v, [i0])
        pcx = px - c0x
        pcy = py - c0y
        pcz = pz - c0z
        best = inf
        for k in range(POOL):
            ik = iks[k]
            ex = plsc.load_gather(cx_v, [ik]) - c0x
            ey = plsc.load_gather(cy_v, [ik]) - c0y
            ez = plsc.load_gather(cz_v, [ik]) - c0z
            el2 = ex * ex + ey * ey + ez * ez
            dt = pcx * ex + pcy * ey + pcz * ez
            sq = dt * dt / el2 - dt + el2 * 0.25
            skip = excl[k] | ((d2s[k] == d0) & (ik == i0))
            best = jnp.minimum(best, jnp.where(skip, inf, sq))
        out_v[pl.ds(qoff, L)] = best
        return 0

    lax.fori_loop(0, qpw // L, step, 0)
    pltpu.sync_copy(out_v, out_h.at[pl.ds(base, qpw)])


def _sc_edge(px, py, pz, cx, cy, cz, idx_flat):
    info = plsc.get_sparse_core_info()
    qpw = Q // (info.num_cores * info.num_subcores)
    return pl.kernel(
        _sc_edge_body,
        out_type=jax.ShapeDtypeStruct((Q,), jnp.float32),
        mesh=plsc.VectorSubcoreMesh(core_axis_name="c", subcore_axis_name="s"),
        compiler_params=pltpu.CompilerParams(needs_layout_passes=False),
        scratch_types=[
            pltpu.VMEM((qpw,), jnp.float32),
            pltpu.VMEM((qpw,), jnp.float32),
            pltpu.VMEM((qpw,), jnp.float32),
            pltpu.VMEM((N,), jnp.float32),
            pltpu.VMEM((N,), jnp.float32),
            pltpu.VMEM((N,), jnp.float32),
            pltpu.VMEM((qpw * 16,), jnp.int32),
            pltpu.VMEM((qpw,), jnp.float32),
        ],
    )(px, py, pz, cx, cy, cz, idx_flat)


@jax.jit
def kernel(points, cell_points):
    ct3 = cell_points.T
    idx = pl.pallas_call(
        _cand_kernel,
        grid=(Q // TQ,),
        in_specs=[
            pl.BlockSpec((TQ, 3), lambda i: (i, 0)),
            pl.BlockSpec((3, N), lambda i: (0, 0)),
        ],
        out_specs=pl.BlockSpec((TQ, 16), lambda i: (i, 0)),
        out_shape=jax.ShapeDtypeStruct((Q, 16), jnp.int32),
    )(points, ct3)
    px, py, pz = points[:, 0], points[:, 1], points[:, 2]
    cx, cy, cz = cell_points[:, 0], cell_points[:, 1], cell_points[:, 2]
    return _sc_edge(px, py, pz, cx, cy, cz, idx.reshape(-1))

# --- scband reference (transcript-rebuilt; emitter-appended) ---
"""Pipeline reference for scband-voronoi-values-81286551044461 (READ-ONLY COPY).

The authoritative reference and input builder live on the scoring server;
editing this copy changes nothing except your own understanding.
"""

import jax, jax.numpy as jnp
import numpy as np

KEDGE = 10  # self.kedge in the torch module


def setup_inputs(seed: int = 0) -> dict:
    key = jax.random.key(seed)
    k1, k2 = jax.random.split(key)
    # query sample points in [-1, 1]^3
    points = jax.random.uniform(k1, (16384, 3), dtype=jnp.float32, minval=-1.0, maxval=1.0)
    # voronoi cell centers (the nn.Parameter `self.points` in the torch module)
    cell_points = jax.random.uniform(k2, (4096, 3), dtype=jnp.float32, minval=-1.0, maxval=1.0)
    return {"points": points, "cell_points": cell_points}


def reference(points, cell_points):
    """Faithful port of VoronoiValues.squared_distance_to_edges (return_indices=False).

    closest_cells is implemented as brute-force exact KNN (what pytorch3d's
    knn_points computes): squared euclidean distance + top-k smallest.
    """
    # pairwise squared distances [Q, N]
    d2 = ((points[:, None, :] - cell_points[None, :, :]) ** 2).sum(-1)
    # K = kedge + 1 nearest cells, sorted ascending by distance
    _, indices = jax.lax.top_k(-d2, KEDGE + 1)  # [Q, 11]
    nearest = cell_points[indices[:, 0]]                      # [Q, 3]
    point_to_voronoi_center = points - nearest                # [Q, 3]
    neigh = cell_points[indices[:, 1:]]                       # [Q, 10, 3]
    voronoi_edge = neigh - nearest[:, None, :]                # [Q, 10, 3]
    voronoi_edge_l = jnp.sqrt((voronoi_edge ** 2).sum(-1))    # [Q, 10]
    vector_length = (point_to_voronoi_center[:, None, :] * voronoi_edge).sum(-1) / voronoi_edge_l
    sq_dist = (vector_length - voronoi_edge_l / 2.0) ** 2     # [Q, 10]
    return sq_dist.min(1)                                     # [Q]

if __name__ == "__main__":
    import jax
    _d = setup_inputs()
    print(jax.jit(kernel)(*tuple(_d.values())))

</pallas_src>

<mosaic_0001>
#map = affine_map<(d0, d1) -> (0)>
module attributes {stable_mosaic.version = 14 : i64} {
  func.func @_sc_edge_body(%arg0: i32, %arg1: i32, %arg2: memref<16384xf32, #tpu.memory_space<hbm>>, %arg3: memref<16384xf32, #tpu.memory_space<hbm>>, %arg4: memref<16384xf32, #tpu.memory_space<hbm>>, %arg5: memref<4096xf32, #tpu.memory_space<hbm>>, %arg6: memref<4096xf32, #tpu.memory_space<hbm>>, %arg7: memref<4096xf32, #tpu.memory_space<hbm>>, %arg8: memref<262144xi32, #tpu.memory_space<hbm>>, %arg9: memref<16384xf32, #tpu.memory_space<hbm>>, %arg10: memref<512xf32, #tpu.memory_space<vmem>>, %arg11: memref<512xf32, #tpu.memory_space<vmem>>, %arg12: memref<512xf32, #tpu.memory_space<vmem>>, %arg13: memref<4096xf32, #tpu.memory_space<vmem>>, %arg14: memref<4096xf32, #tpu.memory_space<vmem>>, %arg15: memref<4096xf32, #tpu.memory_space<vmem>>, %arg16: memref<8192xi32, #tpu.memory_space<vmem>>, %arg17: memref<512xf32, #tpu.memory_space<vmem>>) attributes {dimension_semantics = [#tpu.dimension_semantics<core_parallel>, #tpu.dimension_semantics<subcore_parallel>], iteration_bounds = array<i64: 2, 16>, scalar_prefetch = 0 : i64, scratch_operands = 8 : i64, tpu.core_type = #tpu.core_type<sc_vector_subcore>, window_params = [{transform_indices = #map}, {transform_indices = #map}, {transform_indices = #map}, {transform_indices = #map}, {transform_indices = #map}, {transform_indices = #map}, {transform_indices = #map}, {transform_indices = #map}]} {
    %mul3A = arith.constant 2 : i32
    %mul3A_0 = arith.muli %arg1, %mul3A : i32
    %add3A = arith.addi %mul3A_0, %arg0 : i32
    %mul3A_1 = arith.constant 512 : i32
    %mul3A_2 = arith.muli %add3A, %mul3A_1 : i32
    "tpu.region"() ({
      %run_scoped3A = tpu.sem_alloc : memref<!tpu.dma_semaphore, #tpu.memory_space<semaphore_mem>>
      %dma_start3A = tpu.memref_slice %arg2[%mul3A_2] : memref<16384xf32, #tpu.memory_space<hbm>> -> memref<512xf32, #tpu.memory_space<hbm>>
      %dma_start3A_16 = tpu.memref_slice %arg2[%mul3A_2] : memref<16384xf32, #tpu.memory_space<hbm>> -> memref<512xf32, #tpu.memory_space<hbm>>
      tpu.enqueue_dma source(%dma_start3A_16 : memref<512xf32, #tpu.memory_space<hbm>>) target(%arg10 : memref<512xf32, #tpu.memory_space<vmem>>) target_semaphore(%run_scoped3A : memref<!tpu.dma_semaphore, #tpu.memory_space<semaphore_mem>>)
      %dma_wait3A = tpu.memref_slice %arg2[%mul3A_2] : memref<16384xf32, #tpu.memory_space<hbm>> -> memref<512xf32, #tpu.memory_space<hbm>>
      %dma_wait3A_17 = tpu.memref_slice %arg2[%mul3A_2] : memref<16384xf32, #tpu.memory_space<hbm>> -> memref<512xf32, #tpu.memory_space<hbm>>
      tpu.wait_dma2 semaphore(%run_scoped3A : memref<!tpu.dma_semaphore, #tpu.memory_space<semaphore_mem>>) src(%dma_wait3A_17 : memref<512xf32, #tpu.memory_space<hbm>>) dst(%arg10 : memref<512xf32, #tpu.memory_space<vmem>>)
      tpu.yield
    }) : () -> ()
    "tpu.region"() ({
      %run_scoped3A = tpu.sem_alloc : memref<!tpu.dma_semaphore, #tpu.memory_space<semaphore_mem>>
      %dma_start3A = tpu.memref_slice %arg3[%mul3A_2] : memref<16384xf32, #tpu.memory_space<hbm>> -> memref<512xf32, #tpu.memory_space<hbm>>
      %dma_start3A_16 = tpu.memref_slice %arg3[%mul3A_2] : memref<16384xf32, #tpu.memory_space<hbm>> -> memref<512xf32, #tpu.memory_space<hbm>>
      tpu.enqueue_dma source(%dma_start3A_16 : memref<512xf32, #tpu.memory_space<hbm>>) target(%arg11 : memref<512xf32, #tpu.memory_space<vmem>>) target_semaphore(%run_scoped3A : memref<!tpu.dma_semaphore, #tpu.memory_space<semaphore_mem>>)
      %dma_wait3A = tpu.memref_slice %arg3[%mul3A_2] : memref<16384xf32, #tpu.memory_space<hbm>> -> memref<512xf32, #tpu.memory_space<hbm>>
      %dma_wait3A_17 = tpu.memref_slice %arg3[%mul3A_2] : memref<16384xf32, #tpu.memory_space<hbm>> -> memref<512xf32, #tpu.memory_space<hbm>>
      tpu.wait_dma2 semaphore(%run_scoped3A : memref<!tpu.dma_semaphore, #tpu.memory_space<semaphore_mem>>) src(%dma_wait3A_17 : memref<512xf32, #tpu.memory_space<hbm>>) dst(%arg11 : memref<512xf32, #tpu.memory_space<vmem>>)
      tpu.yield
    }) : () -> ()
    "tpu.region"() ({
      %run_scoped3A = tpu.sem_alloc : memref<!tpu.dma_semaphore, #tpu.memory_space<semaphore_mem>>
      %dma_start3A = tpu.memref_slice %arg4[%mul3A_2] : memref<16384xf32, #tpu.memory_space<hbm>> -> memref<512xf32, #tpu.memory_space<hbm>>
      %dma_start3A_16 = tpu.memref_slice %arg4[%mul3A_2] : memref<16384xf32, #tpu.memory_space<hbm>> -> memref<512xf32, #tpu.memory_space<hbm>>
      tpu.enqueue_dma source(%dma_start3A_16 : memref<512xf32, #tpu.memory_space<hbm>>) target(%arg12 : memref<512xf32, #tpu.memory_space<vmem>>) target_semaphore(%run_scoped3A : memref<!tpu.dma_semaphore, #tpu.memory_space<semaphore_mem>>)
      %dma_wait3A = tpu.memref_slice %arg4[%mul3A_2] : memref<16384xf32, #tpu.memory_space<hbm>> -> memref<512xf32, #tpu.memory_space<hbm>>
      %dma_wait3A_17 = tpu.memref_slice %arg4[%mul3A_2] : memref<16384xf32, #tpu.memory_space<hbm>> -> memref<512xf32, #tpu.memory_space<hbm>>
      tpu.wait_dma2 semaphore(%run_scoped3A : memref<!tpu.dma_semaphore, #tpu.memory_space<semaphore_mem>>) src(%dma_wait3A_17 : memref<512xf32, #tpu.memory_space<hbm>>) dst(%arg12 : memref<512xf32, #tpu.memory_space<vmem>>)
      tpu.yield
    }) : () -> ()
    "tpu.region"() ({
      %run_scoped3A = tpu.sem_alloc : memref<!tpu.dma_semaphore, #tpu.memory_space<semaphore_mem>>
      tpu.enqueue_dma source(%arg5 : memref<4096xf32, #tpu.memory_space<hbm>>) target(%arg13 : memref<4096xf32, #tpu.memory_space<vmem>>) target_semaphore(%run_scoped3A : memref<!tpu.dma_semaphore, #tpu.memory_space<semaphore_mem>>)
      tpu.wait_dma2 semaphore(%run_scoped3A : memref<!tpu.dma_semaphore, #tpu.memory_space<semaphore_mem>>) src(%arg5 : memref<4096xf32, #tpu.memory_space<hbm>>) dst(%arg13 : memref<4096xf32, #tpu.memory_space<vmem>>)
      tpu.yield
    }) : () -> ()
    "tpu.region"() ({
      %run_scoped3A = tpu.sem_alloc : memref<!tpu.dma_semaphore, #tpu.memory_space<semaphore_mem>>
      tpu.enqueue_dma source(%arg6 : memref<4096xf32, #tpu.memory_space<hbm>>) target(%arg14 : memref<4096xf32, #tpu.memory_space<vmem>>) target_semaphore(%run_scoped3A : memref<!tpu.dma_semaphore, #tpu.memory_space<semaphore_mem>>)
      tpu.wait_dma2 semaphore(%run_scoped3A : memref<!tpu.dma_semaphore, #tpu.memory_space<semaphore_mem>>) src(%arg6 : memref<4096xf32, #tpu.memory_space<hbm>>) dst(%arg14 : memref<4096xf32, #tpu.memory_space<vmem>>)
      tpu.yield
    }) : () -> ()
    "tpu.region"() ({
      %run_scoped3A = tpu.sem_alloc : memref<!tpu.dma_semaphore, #tpu.memory_space<semaphore_mem>>
      tpu.enqueue_dma source(%arg7 : memref<4096xf32, #tpu.memory_space<hbm>>) target(%arg15 : memref<4096xf32, #tpu.memory_space<vmem>>) target_semaphore(%run_scoped3A : memref<!tpu.dma_semaphore, #tpu.memory_space<semaphore_mem>>)
      tpu.wait_dma2 semaphore(%run_scoped3A : memref<!tpu.dma_semaphore, #tpu.memory_space<semaphore_mem>>) src(%arg7 : memref<4096xf32, #tpu.memory_space<hbm>>) dst(%arg15 : memref<4096xf32, #tpu.memory_space<vmem>>)
      tpu.yield
    }) : () -> ()
    %mul3A_3 = arith.constant 16 : i32
    %mul3A_4 = arith.muli %mul3A_2, %mul3A_3 : i32
    "tpu.region"() ({
      %run_scoped3A = tpu.sem_alloc : memref<!tpu.dma_semaphore, #tpu.memory_space<semaphore_mem>>
      %dma_start3A = tpu.memref_slice %arg8[%mul3A_4] : memref<262144xi32, #tpu.memory_space<hbm>> -> memref<8192xi32, #tpu.memory_space<hbm>>
      %dma_start3A_16 = tpu.memref_slice %arg8[%mul3A_4] : memref<262144xi32, #tpu.memory_space<hbm>> -> memref<8192xi32, #tpu.memory_space<hbm>>
      tpu.enqueue_dma source(%dma_start3A_16 : memref<8192xi32, #tpu.memory_space<hbm>>) target(%arg16 : memref<8192xi32, #tpu.memory_space<vmem>>) target_semaphore(%run_scoped3A : memref<!tpu.dma_semaphore, #tpu.memory_space<semaphore_mem>>)
      %dma_wait3A = tpu.memref_slice %arg8[%mul3A_4] : memref<262144xi32, #tpu.memory_space<hbm>> -> memref<8192xi32, #tpu.memory_space<hbm>>
      %dma_wait3A_17 = tpu.memref_slice %arg8[%mul3A_4] : memref<262144xi32, #tpu.memory_space<hbm>> -> memref<8192xi32, #tpu.memory_space<hbm>>
      tpu.wait_dma2 semaphore(%run_scoped3A : memref<!tpu.dma_semaphore, #tpu.memory_space<semaphore_mem>>) src(%dma_wait3A_17 : memref<8192xi32, #tpu.memory_space<hbm>>) dst(%arg16 : memref<8192xi32, #tpu.memory_space<vmem>>)
      tpu.yield
    }) : () -> ()
    %iota3A = tpu.iota {dimensions = array<i32: 0>} : vector<16xi32>
    %broadcast_in_dim3A = arith.constant 0x7F800000 : f32
    %broadcast_in_dim3A_5 = vector.broadcast %broadcast_in_dim3A : f32 to vector<16xf32>
    %broadcast_in_dim3A_6 = arith.constant 0xFF800000 : f32
    %broadcast_in_dim3A_7 = vector.broadcast %broadcast_in_dim3A_6 : f32 to vector<16xf32>
    %lt3A = arith.constant 0 : i32
    %lt3A_8 = vector.broadcast %lt3A : i32 to vector<16xi32>
    %lt3A_9 = arith.cmpi slt, %iota3A, %lt3A_8 : vector<16xi32>
    %scan3A = arith.constant 0 : i32
    %scan3A_10 = arith.constant 0 : i32
    %scan3A_11 = arith.constant 32 : i32
    %scan3A_12 = arith.addi %scan3A_10, %scan3A_11 : i32
    %scan3A_13 = arith.constant 1 : i32
    %scan3A_14 = scf.for %scan3A_16 = %scan3A_10 to %scan3A_12 step %scan3A_13 iter_args(%scan3A_17 = %scan3A) -> (i32)  : i32 {
      %mul3A_18 = arith.constant 16 : i32
      %mul3A_19 = arith.muli %scan3A_16, %mul3A_18 : i32
      %get3A = arith.index_cast %mul3A_19 : i32 to index
      %get3A_20 = tpu.vector_load %arg10[%get3A] {strides = array<i32>} : memref<512xf32, #tpu.memory_space<vmem>>, vector<16xf32>,
      %get3A_21 = arith.index_cast %mul3A_19 : i32 to index
      %get3A_22 = tpu.vector_load %arg11[%get3A_21] {strides = array<i32>} : memref<512xf32, #tpu.memory_space<vmem>>, vector<16xf32>,
      %get3A_23 = arith.index_cast %mul3A_19 : i32 to index
      %get3A_24 = tpu.vector_load %arg12[%get3A_23] {strides = array<i32>} : memref<512xf32, #tpu.memory_space<vmem>>, vector<16xf32>,
      %mul3A_25 = arith.constant 16 : i32
      %mul3A_26 = arith.muli %mul3A_19, %mul3A_25 : i32
      %mul3A_27 = arith.constant 16 : i32
      %mul3A_28 = vector.broadcast %mul3A_27 : i32 to vector<16xi32>
      %mul3A_29 = arith.muli %iota3A, %mul3A_28 : vector<16xi32>
      %add3A_30 = vector.broadcast %mul3A_26 : i32 to vector<16xi32>
      %add3A_31 = arith.addi %add3A_30, %mul3A_29 : vector<16xi32>
      %add3A_32 = arith.constant 0 : i32
      %add3A_33 = vector.broadcast %add3A_32 : i32 to vector<16xi32>
      %add3A_34 = arith.addi %add3A_31, %add3A_33 : vector<16xi32>
      %gather3A = tpu.vector_load_idx %arg16[%add3A_34] : memref<8192xi32, #tpu.memory_space<vmem>>[vector<16xi32>], vector<16xi32>,
      %gather3A_35 = tpu.vector_load_idx %arg13[%gather3A] : memref<4096xf32, #tpu.memory_space<vmem>>[vector<16xi32>], vector<16xf32>,
      %sub3A = arith.subf %get3A_20, %gather3A_35 : vector<16xf32>
      %gather3A_36 = tpu.vector_load_idx %arg14[%gather3A] : memref<4096xf32, #tpu.memory_space<vmem>>[vector<16xi32>], vector<16xf32>,
      %sub3A_37 = arith.subf %get3A_22, %gather3A_36 : vector<16xf32>
      %gather3A_38 = tpu.vector_load_idx %arg15[%gather3A] : memref<4096xf32, #tpu.memory_space<vmem>>[vector<16xi32>], vector<16xf32>,
      %sub3A_39 = arith.subf %get3A_24, %gather3A_38 : vector<16xf32>
      %mul3A_40 = arith.mulf %sub3A, %sub3A : vector<16xf32>
      %mul3A_41 = arith.mulf %sub3A_37, %sub3A_37 : vector<16xf32>
      %add3A_42 = arith.addf %mul3A_40, %mul3A_41 : vector<16xf32>
      %mul3A_43 = arith.mulf %sub3A_39, %sub3A_39 : vector<16xf32>
      %add3A_44 = arith.addf %add3A_42, %mul3A_43 : vector<16xf32>
      %add3A_45 = arith.constant 1 : i32
      %add3A_46 = vector.broadcast %add3A_45 : i32 to vector<16xi32>
      %add3A_47 = arith.addi %add3A_31, %add3A_46 : vector<16xi32>
      %gather3A_48 = tpu.vector_load_idx %arg16[%add3A_47] : memref<8192xi32, #tpu.memory_space<vmem>>[vector<16xi32>], vector<16xi32>,
      %gather3A_49 = tpu.vector_load_idx %arg13[%gather3A_48] : memref<4096xf32, #tpu.memory_space<vmem>>[vector<16xi32>], vector<16xf32>,
      %sub3A_50 = arith.subf %get3A_20, %gather3A_49 : vector<16xf32>
      %gather3A_51 = tpu.vector_load_idx %arg14[%gather3A_48] : memref<4096xf32, #tpu.memory_space<vmem>>[vector<16xi32>], vector<16xf32>,
      %sub3A_52 = arith.subf %get3A_22, %gather3A_51 : vector<16xf32>
      %gather3A_53 = tpu.vector_load_idx %arg15[%gather3A_48] : memref<4096xf32, #tpu.memory_space<vmem>>[vector<16xi32>], vector<16xf32>,
      %sub3A_54 = arith.subf %get3A_24, %gather3A_53 : vector<16xf32>
      %mul3A_55 = arith.mulf %sub3A_50, %sub3A_50 : vector<16xf32>
      %mul3A_56 = arith.mulf %sub3A_52, %sub3A_52 : vector<16xf32>
      %add3A_57 = arith.addf %mul3A_55, %mul3A_56 : vector<16xf32>
      %mul3A_58 = arith.mulf %sub3A_54, %sub3A_54 : vector<16xf32>
      %add3A_59 = arith.addf %add3A_57, %mul3A_58 : vector<16xf32>
      %add3A_60 = arith.constant 2 : i32
      %add3A_61 = vector.broadcast %add3A_60 : i32 to vector<16xi32>
      %add3A_62 = arith.addi %add3A_31, %add3A_61 : vector<16xi32>
      %gather3A_63 = tpu.vector_load_idx %arg16[%add3A_62] : memref<8192xi32, #tpu.memory_space<vmem>>[vector<16xi32>], vector<16xi32>,
      %gather3A_64 = tpu.vector_load_idx %arg13[%gather3A_63] : memref<4096xf32, #tpu.memory_space<vmem>>[vector<16xi32>], vector<16xf32>,
      %sub3A_65 = arith.subf %get3A_20, %gather3A_64 : vector<16xf32>
      %gather3A_66 = tpu.vector_load_idx %arg14[%gather3A_63] : memref<4096xf32, #tpu.memory_space<vmem>>[vector<16xi32>], vector<16xf32>,
      %sub3A_67 = arith.subf %get3A_22, %gather3A_66 : vector<16xf32>
      %gather3A_68 = tpu.vector_load_idx %arg15[%gather3A_63] : memref<4096xf32, #tpu.memory_space<vmem>>[vector<16xi32>], vector<16xf32>,
      %sub3A_69 = arith.subf %get3A_24, %gather3A_68 : vector<16xf32>
      %mul3A_70 = arith.mulf %sub3A_65, %sub3A_65 : vector<16xf32>
      %mul3A_71 = arith.mulf %sub3A_67, %sub3A_67 : vector<16xf32>
      %add3A_72 = arith.addf %mul3A_70, %mul3A_71 : vector<16xf32>
      %mul3A_73 = arith.mulf %sub3A_69, %sub3A_69 : vector<16xf32>
      %add3A_74 = arith.addf %add3A_72, %mul3A_73 : vector<16xf32>
      %add3A_75 = arith.constant 3 : i32
      %add3A_76 = vector.broadcast %add3A_75 : i32 to vector<16xi32>
      %add3A_77 = arith.addi %add3A_31, %add3A_76 : vector<16xi32>
      %gather3A_78 = tpu.vector_load_idx %arg16[%add3A_77] : memref<8192xi32, #tpu.memory_space<vmem>>[vector<16xi32>], vector<16xi32>,
      %gather3A_79 = tpu.vector_load_idx %arg13[%gather3A_78] : memref<4096xf32, #tpu.memory_space<vmem>>[vector<16xi32>], vector<16xf32>,
      %sub3A_80 = arith.subf %get3A_20, %gather3A_79 : vector<16xf32>
      %gather3A_81 = tpu.vector_load_idx %arg14[%gather3A_78] : memref<4096xf32, #tpu.memory_space<vmem>>[vector<16xi32>], vector<16xf32>,
      %sub3A_82 = arith.subf %get3A_22, %gather3A_81 : vector<16xf32>
      %gather3A_83 = tpu.vector_load_idx %arg15[%gather3A_78] : memref<4096xf32, #tpu.memory_space<vmem>>[vector<16xi32>], vector<16xf32>,
      %sub3A_84 = arith.subf %get3A_24, %gather3A_83 : vector<16xf32>
      %mul3A_85 = arith.mulf %sub3A_80, %sub3A_80 : vector<16xf32>
      %mul3A_86 = arith.mulf %sub3A_82, %sub3A_82 : vector<16xf32>
      %add3A_87 = arith.addf %mul3A_85, %mul3A_86 : vector<16xf32>
      %mul3A_88 = arith.mulf %sub3A_84, %sub3A_84 : vector<16xf32>
      %add3A_89 = arith.addf %add3A_87, %mul3A_88 : vector<16xf32>
      %add3A_90 = arith.constant 4 : i32
      %add3A_91 = vector.broadcast %add3A_90 : i32 to vector<16xi32>
      %add3A_92 = arith.addi %add3A_31, %add3A_91 : vector<16xi32>
      %gather3A_93 = tpu.vector_load_idx %arg16[%add3A_92] : memref<8192xi32, #tpu.memory_space<vmem>>[vector<16xi32>], vector<16xi32>,
      %gather3A_94 = tpu.vector_load_idx %arg13[%gather3A_93] : memref<4096xf32, #tpu.memory_space<vmem>>[vector<16xi32>], vector<16xf32>,
      %sub3A_95 = arith.subf %get3A_20, %gather3A_94 : vector<16xf32>
      %gather3A_96 = tpu.vector_load_idx %arg14[%gather3A_93] : memref<4096xf32, #tpu.memory_space<vmem>>[vector<16xi32>], vector<16xf32>,
      %sub3A_97 = arith.subf %get3A_22, %gather3A_96 : vector<16xf32>
      %gather3A_98 = tpu.vector_load_idx %arg15[%gather3A_93] : memref<4096xf32, #tpu.memory_space<vmem>>[vector<16xi32>], vector<16xf32>,
      %sub3A_99 = arith.subf %get3A_24, %gather3A_98 : vector<16xf32>
      %mul3A_100 = arith.mulf %sub3A_95, %sub3A_95 : vector<16xf32>
      %mul3A_101 = arith.mulf %sub3A_97, %sub3A_97 : vector<16xf32>
      %add3A_102 = arith.addf %mul3A_100, %mul3A_101 : vector<16xf32>
      %mul3A_103 = arith.mulf %sub3A_99, %sub3A_99 : vector<16xf32>
      %add3A_104 = arith.addf %add3A_102, %mul3A_103 : vector<16xf32>
      %add3A_105 = arith.constant 5 : i32
      %add3A_106 = vector.broadcast %add3A_105 : i32 to vector<16xi32>
      %add3A_107 = arith.addi %add3A_31, %add3A_106 : vector<16xi32>
      %gather3A_108 = tpu.vector_load_idx %arg16[%add3A_107] : memref<8192xi32, #tpu.memory_space<vmem>>[vector<16xi32>], vector<16xi32>,
      %gather3A_109 = tpu.vector_load_idx %arg13[%gather3A_108] : memref<4096xf32, #tpu.memory_space<vmem>>[vector<16xi32>], vector<16xf32>,
      %sub3A_110 = arith.subf %get3A_20, %gather3A_109 : vector<16xf32>
      %gather3A_111 = tpu.vector_load_idx %arg14[%gather3A_108] : memref<4096xf32, #tpu.memory_space<vmem>>[vector<16xi32>], vector<16xf32>,
      %sub3A_112 = arith.subf %get3A_22, %gather3A_111 : vector<16xf32>
      %gather3A_113 = tpu.vector_load_idx %arg15[%gather3A_108] : memref<4096xf32, #tpu.memory_space<vmem>>[vector<16xi32>], vector<16xf32>,
      %sub3A_114 = arith.subf %get3A_24, %gather3A_113 : vector<16xf32>
      %mul3A_115 = arith.mulf %sub3A_110, %sub3A_110 : vector<16xf32>
      %mul3A_116 = arith.mulf %sub3A_112, %sub3A_112 : vector<16xf32>
      %add3A_117 = arith.addf %mul3A_115, %mul3A_116 : vector<16xf32>
      %mul3A_118 = arith.mulf %sub3A_114, %sub3A_114 : vector<16xf32>
      %add3A_119 = arith.addf %add3A_117, %mul3A_118 : vector<16xf32>
      %add3A_120 = arith.constant 6 : i32
      %add3A_121 = vector.broadcast %add3A_120 : i32 to vector<16xi32>
      %add3A_122 = arith.addi %add3A_31, %add3A_121 : vector<16xi32>
      %gather3A_123 = tpu.vector_load_idx %arg16[%add3A_122] : memref<8192xi32, #tpu.memory_space<vmem>>[vector<16xi32>], vector<16xi32>,
      %gather3A_124 = tpu.vector_load_idx %arg13[%gather3A_123] : memref<4096xf32, #tpu.memory_space<vmem>>[vector<16xi32>], vector<16xf32>,
      %sub3A_125 = arith.subf %get3A_20, %gather3A_124 : vector<16xf32>
      %gather3A_126 = tpu.vector_load_idx %arg14[%gather3A_123] : memref<4096xf32, #tpu.memory_space<vmem>>[vector<16xi32>], vector<16xf32>,
      %sub3A_127 = arith.subf %get3A_22, %gather3A_126 : vector<16xf32>
      %gather3A_128 = tpu.vector_load_idx %arg15[%gather3A_123] : memref<4096xf32, #tpu.memory_space<vmem>>[vector<16xi32>], vector<16xf32>,
      %sub3A_129 = arith.subf %get3A_24, %gather3A_128 : vector<16xf32>
      %mul3A_130 = arith.mulf %sub3A_125, %sub3A_125 : vector<16xf32>
      %mul3A_131 = arith.mulf %sub3A_127, %sub3A_127 : vector<16xf32>
      %add3A_132 = arith.addf %mul3A_130, %mul3A_131 : vector<16xf32>
      %mul3A_133 = arith.mulf %sub3A_129, %sub3A_129 : vector<16xf32>
      %add3A_134 = arith.addf %add3A_132, %mul3A_133 : vector<16xf32>
      %add3A_135 = arith.constant 7 : i32
      %add3A_136 = vector.broadcast %add3A_135 : i32 to vector<16xi32>
      %add3A_137 = arith.addi %add3A_31, %add3A_136 : vector<16xi32>
      %gather3A_138 = tpu.vector_load_idx %arg16[%add3A_137] : memref<8192xi32, #tpu.memory_space<vmem>>[vector<16xi32>], vector<16xi32>,
      %gather3A_139 = tpu.vector_load_idx %arg13[%gather3A_138] : memref<4096xf32, #tpu.memory_space<vmem>>[vector<16xi32>], vector<16xf32>,
      %sub3A_140 = arith.subf %get3A_20, %gather3A_139 : vector<16xf32>
      %gather3A_141 = tpu.vector_load_idx %arg14[%gather3A_138] : memref<4096xf32, #tpu.memory_space<vmem>>[vector<16xi32>], vector<16xf32>,
      %sub3A_142 = arith.subf %get3A_22, %gather3A_141 : vector<16xf32>
      %gather3A_143 = tpu.vector_load_idx %arg15[%gather3A_138] : memref<4096xf32, #tpu.memory_space<vmem>>[vector<16xi32>], vector<16xf32>,
      %sub3A_144 = arith.subf %get3A_24, %gather3A_143 : vector<16xf32>
      %mul3A_145 = arith.mulf %sub3A_140, %sub3A_140 : vector<16xf32>
      %mul3A_146 = arith.mulf %sub3A_142, %sub3A_142 : vector<16xf32>
      %add3A_147 = arith.addf %mul3A_145, %mul3A_146 : vector<16xf32>
      %mul3A_148 = arith.mulf %sub3A_144, %sub3A_144 : vector<16xf32>
      %add3A_149 = arith.addf %add3A_147, %mul3A_148 : vector<16xf32>
      %add3A_150 = arith.constant 8 : i32
      %add3A_151 = vector.broadcast %add3A_150 : i32 to vector<16xi32>
      %add3A_152 = arith.addi %add3A_31, %add3A_151 : vector<16xi32>
      %gather3A_153 = tpu.vector_load_idx %arg16[%add3A_152] : memref<8192xi32, #tpu.memory_space<vmem>>[vector<16xi32>], vector<16xi32>,
      %gather3A_154 = tpu.vector_load_idx %arg13[%gather3A_153] : memref<4096xf32, #tpu.memory_space<vmem>>[vector<16xi32>], vector<16xf32>,
      %sub3A_155 = arith.subf %get3A_20, %gather3A_154 : vector<16xf32>
      %gather3A_156 = tpu.vector_load_idx %arg14[%gather3A_153] : memref<4096xf32, #tpu.memory_space<vmem>>[vector<16xi32>], vector<16xf32>,
      %sub3A_157 = arith.subf %get3A_22, %gather3A_156 : vector<16xf32>
      %gather3A_158 = tpu.vector_load_idx %arg15[%gather3A_153] : memref<4096xf32, #tpu.memory_space<vmem>>[vector<16xi32>], vector<16xf32>,
      %sub3A_159 = arith.subf %get3A_24, %gather3A_158 : vector<16xf32>
      %mul3A_160 = arith.mulf %sub3A_155, %sub3A_155 : vector<16xf32>
      %mul3A_161 = arith.mulf %sub3A_157, %sub3A_157 : vector<16xf32>
      %add3A_162 = arith.addf %mul3A_160, %mul3A_161 : vector<16xf32>
      %mul3A_163 = arith.mulf %sub3A_159, %sub3A_159 : vector<16xf32>
      %add3A_164 = arith.addf %add3A_162, %mul3A_163 : vector<16xf32>
      %add3A_165 = arith.constant 9 : i32
      %add3A_166 = vector.broadcast %add3A_165 : i32 to vector<16xi32>
      %add3A_167 = arith.addi %add3A_31, %add3A_166 : vector<16xi32>
      %gather3A_168 = tpu.vector_load_idx %arg16[%add3A_167] : memref<8192xi32, #tpu.memory_space<vmem>>[vector<16xi32>], vector<16xi32>,
      %gather3A_169 = tpu.vector_load_idx %arg13[%gather3A_168] : memref<4096xf32, #tpu.memory_space<vmem>>[vector<16xi32>], vector<16xf32>,
      %sub3A_170 = arith.subf %get3A_20, %gather3A_169 : vector<16xf32>
      %gather3A_171 = tpu.vector_load_idx %arg14[%gather3A_168] : memref<4096xf32, #tpu.memory_space<vmem>>[vector<16xi32>], vector<16xf32>,
      %sub3A_172 = arith.subf %get3A_22, %gather3A_171 : vector<16xf32>
      %gather3A_173 = tpu.vector_load_idx %arg15[%gather3A_168] : memref<4096xf32, #tpu.memory_space<vmem>>[vector<16xi32>], vector<16xf32>,
      %sub3A_174 = arith.subf %get3A_24, %gather3A_173 : vector<16xf32>
      %mul3A_175 = arith.mulf %sub3A_170, %sub3A_170 : vector<16xf32>
      %mul3A_176 = arith.mulf %sub3A_172, %sub3A_172 : vector<16xf32>
      %add3A_177 = arith.addf %mul3A_175, %mul3A_176 : vector<16xf32>
      %mul3A_178 = arith.mulf %sub3A_174, %sub3A_174 : vector<16xf32>
      %add3A_179 = arith.addf %add3A_177, %mul3A_178 : vector<16xf32>
      %add3A_180 = arith.constant 10 : i32
      %add3A_181 = vector.broadcast %add3A_180 : i32 to vector<16xi32>
      %add3A_182 = arith.addi %add3A_31, %add3A_181 : vector<16xi32>
      %gather3A_183 = tpu.vector_load_idx %arg16[%add3A_182] : memref<8192xi32, #tpu.memory_space<vmem>>[vector<16xi32>], vector<16xi32>,
      %gather3A_184 = tpu.vector_load_idx %arg13[%gather3A_183] : memref<4096xf32, #tpu.memory_space<vmem>>[vector<16xi32>], vector<16xf32>,
      %sub3A_185 = arith.subf %get3A_20, %gather3A_184 : vector<16xf32>
      %gather3A_186 = tpu.vector_load_idx %arg14[%gather3A_183] : memref<4096xf32, #tpu.memory_space<vmem>>[vector<16xi32>], vector<16xf32>,
      %sub3A_187 = arith.subf %get3A_22, %gather3A_186 : vector<16xf32>
      %gather3A_188 = tpu.vector_load_idx %arg15[%gather3A_183] : memref<4096xf32, #tpu.memory_space<vmem>>[vector<16xi32>], vector<16xf32>,
      %sub3A_189 = arith.subf %get3A_24, %gather3A_188 : vector<16xf32>
      %mul3A_190 = arith.mulf %sub3A_185, %sub3A_185 : vector<16xf32>
      %mul3A_191 = arith.mulf %sub3A_187, %sub3A_187 : vector<16xf32>
      %add3A_192 = arith.addf %mul3A_190, %mul3A_191 : vector<16xf32>
      %mul3A_193 = arith.mulf %sub3A_189, %sub3A_189 : vector<16xf32>
      %add3A_194 = arith.addf %add3A_192, %mul3A_193 : vector<16xf32>
      %add3A_195 = arith.constant 11 : i32
      %add3A_196 = vector.broadcast %add3A_195 : i32 to vector<16xi32>
      %add3A_197 = arith.addi %add3A_31, %add3A_196 : vector<16xi32>
      %gather3A_198 = tpu.vector_load_idx %arg16[%add3A_197] : memref<8192xi32, #tpu.memory_space<vmem>>[vector<16xi32>], vector<16xi32>,
      %gather3A_199 = tpu.vector_load_idx %arg13[%gather3A_198] : memref<4096xf32, #tpu.memory_space<vmem>>[vector<16xi32>], vector<16xf32>,
      %sub3A_200 = arith.subf %get3A_20, %gather3A_199 : vector<16xf32>
      %gather3A_201 = tpu.vector_load_idx %arg14[%gather3A_198] : memref<4096xf32, #tpu.memory_space<vmem>>[vector<16xi32>], vector<16xf32>,
      %sub3A_202 = arith.subf %get3A_22, %gather3A_201 : vector<16xf32>
      %gather3A_203 = tpu.vector_load_idx %arg15[%gather3A_198] : memref<4096xf32, #tpu.memory_space<vmem>>[vector<16xi32>], vector<16xf32>,
      %sub3A_204 = arith.subf %get3A_24, %gather3A_203 : vector<16xf32>
      %mul3A_205 = arith.mulf %sub3A_200, %sub3A_200 : vector<16xf32>
      %mul3A_206 = arith.mulf %sub3A_202, %sub3A_202 : vector<16xf32>
      %add3A_207 = arith.addf %mul3A_205, %mul3A_206 : vector<16xf32>
      %mul3A_208 = arith.mulf %sub3A_204, %sub3A_204 : vector<16xf32>
      %add3A_209 = arith.addf %add3A_207, %mul3A_208 : vector<16xf32>
      %add3A_210 = arith.constant 12 : i32
      %add3A_211 = vector.broadcast %add3A_210 : i32 to vector<16xi32>
      %add3A_212 = arith.addi %add3A_31, %add3A_211 : vector<16xi32>
      %gather3A_213 = tpu.vector_load_idx %arg16[%add3A_212] : memref<8192xi32, #tpu.memory_space<vmem>>[vector<16xi32>], vector<16xi32>,
      %gather3A_214 = tpu.vector_load_idx %arg13[%gather3A_213] : memref<4096xf32, #tpu.memory_space<vmem>>[vector<16xi32>], vector<16xf32>,
      %sub3A_215 = arith.subf %get3A_20, %gather3A_214 : vector<16xf32>
      %gather3A_216 = tpu.vector_load_idx %arg14[%gather3A_213] : memref<4096xf32, #tpu.memory_space<vmem>>[vector<16xi32>], vector<16xf32>,
      %sub3A_217 = arith.subf %get3A_22, %gather3A_216 : vector<16xf32>
      %gather3A_218 = tpu.vector_load_idx %arg15[%gather3A_213] : memref<4096xf32, #tpu.memory_space<vmem>>[vector<16xi32>], vector<16xf32>,
      %sub3A_219 = arith.subf %get3A_24, %gather3A_218 : vector<16xf32>
      %mul3A_220 = arith.mulf %sub3A_215, %sub3A_215 : vector<16xf32>
      %mul3A_221 = arith.mulf %sub3A_217, %sub3A_217 : vector<16xf32>
      %add3A_222 = arith.addf %mul3A_220, %mul3A_221 : vector<16xf32>
      %mul3A_223 = arith.mulf %sub3A_219, %sub3A_219 : vector<16xf32>
      %add3A_224 = arith.addf %add3A_222, %mul3A_223 : vector<16xf32>
      %add3A_225 = arith.constant 13 : i32
      %add3A_226 = vector.broadcast %add3A_225 : i32 to vector<16xi32>
      %add3A_227 = arith.addi %add3A_31, %add3A_226 : vector<16xi32>
      %gather3A_228 = tpu.vector_load_idx %arg16[%add3A_227] : memref<8192xi32, #tpu.memory_space<vmem>>[vector<16xi32>], vector<16xi32>,
      %gather3A_229 = tpu.vector_load_idx %arg13[%gather3A_228] : memref<4096xf32, #tpu.memory_space<vmem>>[vector<16xi32>], vector<16xf32>,
      %sub3A_230 = arith.subf %get3A_20, %gather3A_229 : vector<16xf32>
      %gather3A_231 = tpu.vector_load_idx %arg14[%gather3A_228] : memref<4096xf32, #tpu.memory_space<vmem>>[vector<16xi32>], vector<16xf32>,
      %sub3A_232 = arith.subf %get3A_22, %gather3A_231 : vector<16xf32>
      %gather3A_233 = tpu.vector_load_idx %arg15[%gather3A_228] : memref<4096xf32, #tpu.memory_space<vmem>>[vector<16xi32>], vector<16xf32>,
      %sub3A_234 = arith.subf %get3A_24, %gather3A_233 : vector<16xf32>
      %mul3A_235 = arith.mulf %sub3A_230, %sub3A_230 : vector<16xf32>
      %mul3A_236 = arith.mulf %sub3A_232, %sub3A_232 : vector<16xf32>
      %add3A_237 = arith.addf %mul3A_235, %mul3A_236 : vector<16xf32>
      %mul3A_238 = arith.mulf %sub3A_234, %sub3A_234 : vector<16xf32>
      %add3A_239 = arith.addf %add3A_237, %mul3A_238 : vector<16xf32>
      %lt3A_240 = arith.cmpf olt, %add3A_59, %add3A_44 : vector<16xf32>
      %eq3A = arith.cmpf oeq, %add3A_59, %add3A_44 : vector<16xf32>
      %lt3A_241 = arith.cmpi slt, %gather3A_48, %gather3A : vector<16xi32>
      %and3A = arith.andi %eq3A, %lt3A_241 : vector<16xi1>
      %or3A = arith.ori %lt3A_240, %and3A : vector<16xi1>
      %select_n3A = arith.select %or3A, %add3A_59, %add3A_44 : vector<16xi1>, vector<16xf32>
      %select_n3A_242 = arith.select %or3A, %gather3A_48, %gather3A : vector<16xi1>, vector<16xi32>
      %lt3A_243 = arith.cmpf olt, %add3A_74, %select_n3A : vector<16xf32>
      %eq3A_244 = arith.cmpf oeq, %add3A_74, %select_n3A : vector<16xf32>
      %lt3A_245 = arith.cmpi slt, %gather3A_63, %select_n3A_242 : vector<16xi32>
      %and3A_246 = arith.andi %eq3A_244, %lt3A_245 : vector<16xi1>
      %or3A_247 = arith.ori %lt3A_243, %and3A_246 : vector<16xi1>
      %select_n3A_248 = arith.select %or3A_247, %add3A_74, %select_n3A : vector<16xi1>, vector<16xf32>
      %select_n3A_249 = arith.select %or3A_247, %gather3A_63, %select_n3A_242 : vector<16xi1>, vector<16xi32>
      %lt3A_250 = arith.cmpf olt, %add3A_89, %select_n3A_248 : vector<16xf32>
      %eq3A_251 = arith.cmpf oeq, %add3A_89, %select_n3A_248 : vector<16xf32>
      %lt3A_252 = arith.cmpi slt, %gather3A_78, %select_n3A_249 : vector<16xi32>
      %and3A_253 = arith.andi %eq3A_251, %lt3A_252 : vector<16xi1>
      %or3A_254 = arith.ori %lt3A_250, %and3A_253 : vector<16xi1>
      %select_n3A_255 = arith.select %or3A_254, %add3A_89, %select_n3A_248 : vector<16xi1>, vector<16xf32>
      %select_n3A_256 = arith.select %or3A_254, %gather3A_78, %select_n3A_249 : vector<16xi1>, vector<16xi32>
      %lt3A_257 = arith.cmpf olt, %add3A_104, %select_n3A_255 : vector<16xf32>
      %eq3A_258 = arith.cmpf oeq, %add3A_104, %select_n3A_255 : vector<16xf32>
      %lt3A_259 = arith.cmpi slt, %gather3A_93, %select_n3A_256 : vector<16xi32>
      %and3A_260 = arith.andi %eq3A_258, %lt3A_259 : vector<16xi1>
      %or3A_261 = arith.ori %lt3A_257, %and3A_260 : vector<16xi1>
      %select_n3A_262 = arith.select %or3A_261, %add3A_104, %select_n3A_255 : vector<16xi1>, vector<16xf32>
      %select_n3A_263 = arith.select %or3A_261, %gather3A_93, %select_n3A_256 : vector<16xi1>, vector<16xi32>
      %lt3A_264 = arith.cmpf olt, %add3A_119, %select_n3A_262 : vector<16xf32>
      %eq3A_265 = arith.cmpf oeq, %add3A_119, %select_n3A_262 : vector<16xf32>
      %lt3A_266 = arith.cmpi slt, %gather3A_108, %select_n3A_263 : vector<16xi32>
      %and3A_267 = arith.andi %eq3A_265, %lt3A_266 : vector<16xi1>
      %or3A_268 = arith.ori %lt3A_264, %and3A_267 : vector<16xi1>
      %select_n3A_269 = arith.select %or3A_268, %add3A_119, %select_n3A_262 : vector<16xi1>, vector<16xf32>
      %select_n3A_270 = arith.select %or3A_268, %gather3A_108, %select_n3A_263 : vector<16xi1>, vector<16xi32>
      %lt3A_271 = arith.cmpf olt, %add3A_134, %select_n3A_269 : vector<16xf32>
      %eq3A_272 = arith.cmpf oeq, %add3A_134, %select_n3A_269 : vector<16xf32>
      %lt3A_273 = arith.cmpi slt, %gather3A_123, %select_n3A_270 : vector<16xi32>
      %and3A_274 = arith.andi %eq3A_272, %lt3A_273 : vector<16xi1>
      %or3A_275 = arith.ori %lt3A_271, %and3A_274 : vector<16xi1>
      %select_n3A_276 = arith.select %or3A_275, %add3A_134, %select_n3A_269 : vector<16xi1>, vector<16xf32>
      %select_n3A_277 = arith.select %or3A_275, %gather3A_123, %select_n3A_270 : vector<16xi1>, vector<16xi32>
      %lt3A_278 = arith.cmpf olt, %add3A_149, %select_n3A_276 : vector<16xf32>
      %eq3A_279 = arith.cmpf oeq, %add3A_149, %select_n3A_276 : vector<16xf32>
      %lt3A_280 = arith.cmpi slt, %gather3A_138, %select_n3A_277 : vector<16xi32>
      %and3A_281 = arith.andi %eq3A_279, %lt3A_280 : vector<16xi1>
      %or3A_282 = arith.ori %lt3A_278, %and3A_281 : vector<16xi1>
      %select_n3A_283 = arith.select %or3A_282, %add3A_149, %select_n3A_276 : vector<16xi1>, vector<16xf32>
      %select_n3A_284 = arith.select %or3A_282, %gather3A_138, %select_n3A_277 : vector<16xi1>, vector<16xi32>
      %lt3A_285 = arith.cmpf olt, %add3A_164, %select_n3A_283 : vector<16xf32>
      %eq3A_286 = arith.cmpf oeq, %add3A_164, %select_n3A_283 : vector<16xf32>
      %lt3A_287 = arith.cmpi slt, %gather3A_153, %select_n3A_284 : vector<16xi32>
      %and3A_288 = arith.andi %eq3A_286, %lt3A_287 : vector<16xi1>
      %or3A_289 = arith.ori %lt3A_285, %and3A_288 : vector<16xi1>
      %select_n3A_290 = arith.select %or3A_289, %add3A_164, %select_n3A_283 : vector<16xi1>, vector<16xf32>
      %select_n3A_291 = arith.select %or3A_289, %gather3A_153, %select_n3A_284 : vector<16xi1>, vector<16xi32>
      %lt3A_292 = arith.cmpf olt, %add3A_179, %select_n3A_290 : vector<16xf32>
      %eq3A_293 = arith.cmpf oeq, %add3A_179, %select_n3A_290 : vector<16xf32>
      %lt3A_294 = arith.cmpi slt, %gather3A_168, %select_n3A_291 : vector<16xi32>
      %and3A_295 = arith.andi %eq3A_293, %lt3A_294 : vector<16xi1>
      %or3A_296 = arith.ori %lt3A_292, %and3A_295 : vector<16xi1>
      %select_n3A_297 = arith.select %or3A_296, %add3A_179, %select_n3A_290 : vector<16xi1>, vector<16xf32>
      %select_n3A_298 = arith.select %or3A_296, %gather3A_168, %select_n3A_291 : vector<16xi1>, vector<16xi32>
      %lt3A_299 = arith.cmpf olt, %add3A_194, %select_n3A_297 : vector<16xf32>
      %eq3A_300 = arith.cmpf oeq, %add3A_194, %select_n3A_297 : vector<16xf32>
      %lt3A_301 = arith.cmpi slt, %gather3A_183, %select_n3A_298 : vector<16xi32>
      %and3A_302 = arith.andi %eq3A_300, %lt3A_301 : vector<16xi1>
      %or3A_303 = arith.ori %lt3A_299, %and3A_302 : vector<16xi1>
      %select_n3A_304 = arith.select %or3A_303, %add3A_194, %select_n3A_297 : vector<16xi1>, vector<16xf32>
      %select_n3A_305 = arith.select %or3A_303, %gather3A_183, %select_n3A_298 : vector<16xi1>, vector<16xi32>
      %lt3A_306 = arith.cmpf olt, %add3A_209, %select_n3A_304 : vector<16xf32>
      %eq3A_307 = arith.cmpf oeq, %add3A_209, %select_n3A_304 : vector<16xf32>
      %lt3A_308 = arith.cmpi slt, %gather3A_198, %select_n3A_305 : vector<16xi32>
      %and3A_309 = arith.andi %eq3A_307, %lt3A_308 : vector<16xi1>
      %or3A_310 = arith.ori %lt3A_306, %and3A_309 : vector<16xi1>
      %select_n3A_311 = arith.select %or3A_310, %add3A_209, %select_n3A_304 : vector<16xi1>, vector<16xf32>
      %select_n3A_312 = arith.select %or3A_310, %gather3A_198, %select_n3A_305 : vector<16xi1>, vector<16xi32>
      %lt3A_313 = arith.cmpf olt, %add3A_224, %select_n3A_311 : vector<16xf32>
      %eq3A_314 = arith.cmpf oeq, %add3A_224, %select_n3A_311 : vector<16xf32>
      %lt3A_315 = arith.cmpi slt, %gather3A_213, %select_n3A_312 : vector<16xi32>
      %and3A_316 = arith.andi %eq3A_314, %lt3A_315 : vector<16xi1>
      %or3A_317 = arith.ori %lt3A_313, %and3A_316 : vector<16xi1>
      %select_n3A_318 = arith.select %or3A_317, %add3A_224, %select_n3A_311 : vector<16xi1>, vector<16xf32>
      %select_n3A_319 = arith.select %or3A_317, %gather3A_213, %select_n3A_312 : vector<16xi1>, vector<16xi32>
      %lt3A_320 = arith.cmpf olt, %add3A_239, %select_n3A_318 : vector<16xf32>
      %eq3A_321 = arith.cmpf oeq, %add3A_239, %select_n3A_318 : vector<16xf32>
      %lt3A_322 = arith.cmpi slt, %gather3A_228, %select_n3A_319 : vector<16xi32>
      %and3A_323 = arith.andi %eq3A_321, %lt3A_322 : vector<16xi1>
      %or3A_324 = arith.ori %lt3A_320, %and3A_323 : vector<16xi1>
      %select_n3A_325 = arith.select %or3A_324, %add3A_239, %select_n3A_318 : vector<16xi1>, vector<16xf32>
      %select_n3A_326 = arith.select %or3A_324, %gather3A_228, %select_n3A_319 : vector<16xi1>, vector<16xi32>
      %select_n3A_327 = arith.select %lt3A_9, %broadcast_in_dim3A_7, %add3A_44 : vector<16xi1>, vector<16xf32>
      %lt3A_328 = arith.cmpf olt, %broadcast_in_dim3A_7, %select_n3A_327 : vector<16xf32>
      %eq3A_329 = arith.cmpf oeq, %broadcast_in_dim3A_7, %select_n3A_327 : vector<16xf32>
      %lt3A_330 = arith.cmpi slt, %iota3A, %gather3A : vector<16xi32>
      %and3A_331 = arith.andi %eq3A_329, %lt3A_330 : vector<16xi1>
      %or3A_332 = arith.ori %lt3A_328, %and3A_331 : vector<16xi1>
      %select_n3A_333 = arith.select %or3A_332, %select_n3A_327, %broadcast_in_dim3A_7 : vector<16xi1>, vector<16xf32>
      %select_n3A_334 = arith.select %or3A_332, %gather3A, %iota3A : vector<16xi1>, vector<16xi32>
      %select_n3A_335 = arith.select %lt3A_9, %broadcast_in_dim3A_7, %add3A_59 : vector<16xi1>, vector<16xf32>
      %lt3A_336 = arith.cmpf olt, %select_n3A_333, %select_n3A_335 : vector<16xf32>
      %eq3A_337 = arith.cmpf oeq, %select_n3A_333, %select_n3A_335 : vector<16xf32>
      %lt3A_338 = arith.cmpi slt, %select_n3A_334, %gather3A_48 : vector<16xi32>
      %and3A_339 = arith.andi %eq3A_337, %lt3A_338 : vector<16xi1>
      %or3A_340 = arith.ori %lt3A_336, %and3A_339 : vector<16xi1>
      %select_n3A_341 = arith.select %or3A_340, %select_n3A_335, %select_n3A_333 : vector<16xi1>, vector<16xf32>
      %select_n3A_342 = arith.select %or3A_340, %gather3A_48, %select_n3A_334 : vector<16xi1>, vector<16xi32>
      %select_n3A_343 = arith.select %lt3A_9, %broadcast_in_dim3A_7, %add3A_74 : vector<16xi1>, vector<16xf32>
      %lt3A_344 = arith.cmpf olt, %select_n3A_341, %select_n3A_343 : vector<16xf32>
      %eq3A_345 = arith.cmpf oeq, %select_n3A_341, %select_n3A_343 : vector<16xf32>
      %lt3A_346 = arith.cmpi slt, %select_n3A_342, %gather3A_63 : vector<16xi32>
      %and3A_347 = arith.andi %eq3A_345, %lt3A_346 : vector<16xi1>
      %or3A_348 = arith.ori %lt3A_344, %and3A_347 : vector<16xi1>
      %select_n3A_349 = arith.select %or3A_348, %select_n3A_343, %select_n3A_341 : vector<16xi1>, vector<16xf32>
      %select_n3A_350 = arith.select %or3A_348, %gather3A_63, %select_n3A_342 : vector<16xi1>, vector<16xi32>
      %select_n3A_351 = arith.select %lt3A_9, %broadcast_in_dim3A_7, %add3A_89 : vector<16xi1>, vector<16xf32>
      %lt3A_352 = arith.cmpf olt, %select_n3A_349, %select_n3A_351 : vector<16xf32>
      %eq3A_353 = arith.cmpf oeq, %select_n3A_349, %select_n3A_351 : vector<16xf32>
      %lt3A_354 = arith.cmpi slt, %select_n3A_350, %gather3A_78 : vector<16xi32>
      %and3A_355 = arith.andi %eq3A_353, %lt3A_354 : vector<16xi1>
      %or3A_356 = arith.ori %lt3A_352, %and3A_355 : vector<16xi1>
      %select_n3A_357 = arith.select %or3A_356, %select_n3A_351, %select_n3A_349 : vector<16xi1>, vector<16xf32>
      %select_n3A_358 = arith.select %or3A_356, %gather3A_78, %select_n3A_350 : vector<16xi1>, vector<16xi32>
      %select_n3A_359 = arith.select %lt3A_9, %broadcast_in_dim3A_7, %add3A_104 : vector<16xi1>, vector<16xf32>
      %lt3A_360 = arith.cmpf olt, %select_n3A_357, %select_n3A_359 : vector<16xf32>
      %eq3A_361 = arith.cmpf oeq, %select_n3A_357, %select_n3A_359 : vector<16xf32>
      %lt3A_362 = arith.cmpi slt, %select_n3A_358, %gather3A_93 : vector<16xi32>
      %and3A_363 = arith.andi %eq3A_361, %lt3A_362 : vector<16xi1>
      %or3A_364 = arith.ori %lt3A_360, %and3A_363 : vector<16xi1>
      %select_n3A_365 = arith.select %or3A_364, %select_n3A_359, %select_n3A_357 : vector<16xi1>, vector<16xf32>
      %select_n3A_366 = arith.select %or3A_364, %gather3A_93, %select_n3A_358 : vector<16xi1>, vector<16xi32>
      %select_n3A_367 = arith.select %lt3A_9, %broadcast_in_dim3A_7, %add3A_119 : vector<16xi1>, vector<16xf32>
      %lt3A_368 = arith.cmpf olt, %select_n3A_365, %select_n3A_367 : vector<16xf32>
      %eq3A_369 = arith.cmpf oeq, %select_n3A_365, %select_n3A_367 : vector<16xf32>
      %lt3A_370 = arith.cmpi slt, %select_n3A_366, %gather3A_108 : vector<16xi32>
      %and3A_371 = arith.andi %eq3A_369, %lt3A_370 : vector<16xi1>
      %or3A_372 = arith.ori %lt3A_368, %and3A_371 : vector<16xi1>
      %select_n3A_373 = arith.select %or3A_372, %select_n3A_367, %select_n3A_365 : vector<16xi1>, vector<16xf32>
      %select_n3A_374 = arith.select %or3A_372, %gather3A_108, %select_n3A_366 : vector<16xi1>, vector<16xi32>
      %select_n3A_375 = arith.select %lt3A_9, %broadcast_in_dim3A_7, %add3A_134 : vector<16xi1>, vector<16xf32>
      %lt3A_376 = arith.cmpf olt, %select_n3A_373, %select_n3A_375 : vector<16xf32>
      %eq3A_377 = arith.cmpf oeq, %select_n3A_373, %select_n3A_375 : vector<16xf32>
      %lt3A_378 = arith.cmpi slt, %select_n3A_374, %gather3A_123 : vector<16xi32>
      %and3A_379 = arith.andi %eq3A_377, %lt3A_378 : vector<16xi1>
      %or3A_380 = arith.ori %lt3A_376, %and3A_379 : vector<16xi1>
      %select_n3A_381 = arith.select %or3A_380, %select_n3A_375, %select_n3A_373 : vector<16xi1>, vector<16xf32>
      %select_n3A_382 = arith.select %or3A_380, %gather3A_123, %select_n3A_374 : vector<16xi1>, vector<16xi32>
      %select_n3A_383 = arith.select %lt3A_9, %broadcast_in_dim3A_7, %add3A_149 : vector<16xi1>, vector<16xf32>
      %lt3A_384 = arith.cmpf olt, %select_n3A_381, %select_n3A_383 : vector<16xf32>
      %eq3A_385 = arith.cmpf oeq, %select_n3A_381, %select_n3A_383 : vector<16xf32>
      %lt3A_386 = arith.cmpi slt, %select_n3A_382, %gather3A_138 : vector<16xi32>
      %and3A_387 = arith.andi %eq3A_385, %lt3A_386 : vector<16xi1>
      %or3A_388 = arith.ori %lt3A_384, %and3A_387 : vector<16xi1>
      %select_n3A_389 = arith.select %or3A_388, %select_n3A_383, %select_n3A_381 : vector<16xi1>, vector<16xf32>
      %select_n3A_390 = arith.select %or3A_388, %gather3A_138, %select_n3A_382 : vector<16xi1>, vector<16xi32>
      %select_n3A_391 = arith.select %lt3A_9, %broadcast_in_dim3A_7, %add3A_164 : vector<16xi1>, vector<16xf32>
      %lt3A_392 = arith.cmpf olt, %select_n3A_389, %select_n3A_391 : vector<16xf32>
      %eq3A_393 = arith.cmpf oeq, %select_n3A_389, %select_n3A_391 : vector<16xf32>
      %lt3A_394 = arith.cmpi slt, %select_n3A_390, %gather3A_153 : vector<16xi32>
      %and3A_395 = arith.andi %eq3A_393, %lt3A_394 : vector<16xi1>
      %or3A_396 = arith.ori %lt3A_392, %and3A_395 : vector<16xi1>
      %select_n3A_397 = arith.select %or3A_396, %select_n3A_391, %select_n3A_389 : vector<16xi1>, vector<16xf32>
      %select_n3A_398 = arith.select %or3A_396, %gather3A_153, %select_n3A_390 : vector<16xi1>, vector<16xi32>
      %select_n3A_399 = arith.select %lt3A_9, %broadcast_in_dim3A_7, %add3A_179 : vector<16xi1>, vector<16xf32>
      %lt3A_400 = arith.cmpf olt, %select_n3A_397, %select_n3A_399 : vector<16xf32>
      %eq3A_401 = arith.cmpf oeq, %select_n3A_397, %select_n3A_399 : vector<16xf32>
      %lt3A_402 = arith.cmpi slt, %select_n3A_398, %gather3A_168 : vector<16xi32>
      %and3A_403 = arith.andi %eq3A_401, %lt3A_402 : vector<16xi1>
      %or3A_404 = arith.ori %lt3A_400, %and3A_403 : vector<16xi1>
      %select_n3A_405 = arith.select %or3A_404, %select_n3A_399, %select_n3A_397 : vector<16xi1>, vector<16xf32>
      %select_n3A_406 = arith.select %or3A_404, %gather3A_168, %select_n3A_398 : vector<16xi1>, vector<16xi32>
      %select_n3A_407 = arith.select %lt3A_9, %broadcast_in_dim3A_7, %add3A_194 : vector<16xi1>, vector<16xf32>
      %lt3A_408 = arith.cmpf olt, %select_n3A_405, %select_n3A_407 : vector<16xf32>
      %eq3A_409 = arith.cmpf oeq, %select_n3A_405, %select_n3A_407 : vector<16xf32>
      %lt3A_410 = arith.cmpi slt, %select_n3A_406, %gather3A_183 : vector<16xi32>
      %and3A_411 = arith.andi %eq3A_409, %lt3A_410 : vector<16xi1>
      %or3A_412 = arith.ori %lt3A_408, %and3A_411 : vector<16xi1>
      %select_n3A_413 = arith.select %or3A_412, %select_n3A_407, %select_n3A_405 : vector<16xi1>, vector<16xf32>
      %select_n3A_414 = arith.select %or3A_412, %gather3A_183, %select_n3A_406 : vector<16xi1>, vector<16xi32>
      %select_n3A_415 = arith.select %lt3A_9, %broadcast_in_dim3A_7, %add3A_209 : vector<16xi1>, vector<16xf32>
      %lt3A_416 = arith.cmpf olt, %select_n3A_413, %select_n3A_415 : vector<16xf32>
      %eq3A_417 = arith.cmpf oeq, %select_n3A_413, %select_n3A_415 : vector<16xf32>
      %lt3A_418 = arith.cmpi slt, %select_n3A_414, %gather3A_198 : vector<16xi32>
      %and3A_419 = arith.andi %eq3A_417, %lt3A_418 : vector<16xi1>
      %or3A_420 = arith.ori %lt3A_416, %and3A_419 : vector<16xi1>
      %select_n3A_421 = arith.select %or3A_420, %select_n3A_415, %select_n3A_413 : vector<16xi1>, vector<16xf32>
      %select_n3A_422 = arith.select %or3A_420, %gather3A_198, %select_n3A_414 : vector<16xi1>, vector<16xi32>
      %select_n3A_423 = arith.select %lt3A_9, %broadcast_in_dim3A_7, %add3A_224 : vector<16xi1>, vector<16xf32>
      %lt3A_424 = arith.cmpf olt, %select_n3A_421, %select_n3A_423 : vector<16xf32>
      %eq3A_425 = arith.cmpf oeq, %select_n3A_421, %select_n3A_423 : vector<16xf32>
      %lt3A_426 = arith.cmpi slt, %select_n3A_422, %gather3A_213 : vector<16xi32>
      %and3A_427 = arith.andi %eq3A_425, %lt3A_426 : vector<16xi1>
      %or3A_428 = arith.ori %lt3A_424, %and3A_427 : vector<16xi1>
      %select_n3A_429 = arith.select %or3A_428, %select_n3A_423, %select_n3A_421 : vector<16xi1>, vector<16xf32>
      %select_n3A_430 = arith.select %or3A_428, %gather3A_213, %select_n3A_422 : vector<16xi1>, vector<16xi32>
      %select_n3A_431 = arith.select %lt3A_9, %broadcast_in_dim3A_7, %add3A_239 : vector<16xi1>, vector<16xf32>
      %lt3A_432 = arith.cmpf olt, %select_n3A_429, %select_n3A_431 : vector<16xf32>
      %eq3A_433 = arith.cmpf oeq, %select_n3A_429, %select_n3A_431 : vector<16xf32>
      %lt3A_434 = arith.cmpi slt, %select_n3A_430, %gather3A_228 : vector<16xi32>
      %and3A_435 = arith.andi %eq3A_433, %lt3A_434 : vector<16xi1>
      %or3A_436 = arith.ori %lt3A_432, %and3A_435 : vector<16xi1>
      %select_n3A_437 = arith.select %or3A_436, %select_n3A_431, %select_n3A_429 : vector<16xi1>, vector<16xf32>
      %select_n3A_438 = arith.select %or3A_436, %gather3A_228, %select_n3A_430 : vector<16xi1>, vector<16xi32>
      %eq3A_439 = arith.cmpf oeq, %add3A_44, %select_n3A_437 : vector<16xf32>
      %eq3A_440 = arith.cmpi eq, %gather3A, %select_n3A_438 : vector<16xi32>
      %and3A_441 = arith.andi %eq3A_439, %eq3A_440 : vector<16xi1>
      %or3A_442 = arith.ori %lt3A_9, %and3A_441 : vector<16xi1>
      %eq3A_443 = arith.cmpf oeq, %add3A_59, %select_n3A_437 : vector<16xf32>
      %eq3A_444 = arith.cmpi eq, %gather3A_48, %select_n3A_438 : vector<16xi32>
      %and3A_445 = arith.andi %eq3A_443, %eq3A_444 : vector<16xi1>
      %or3A_446 = arith.ori %lt3A_9, %and3A_445 : vector<16xi1>
      %eq3A_447 = arith.cmpf oeq, %add3A_74, %select_n3A_437 : vector<16xf32>
      %eq3A_448 = arith.cmpi eq, %gather3A_63, %select_n3A_438 : vector<16xi32>
      %and3A_449 = arith.andi %eq3A_447, %eq3A_448 : vector<16xi1>
      %or3A_450 = arith.ori %lt3A_9, %and3A_449 : vector<16xi1>
      %eq3A_451 = arith.cmpf oeq, %add3A_89, %select_n3A_437 : vector<16xf32>
      %eq3A_452 = arith.cmpi eq, %gather3A_78, %select_n3A_438 : vector<16xi32>
      %and3A_453 = arith.andi %eq3A_451, %eq3A_452 : vector<16xi1>
      %or3A_454 = arith.ori %lt3A_9, %and3A_453 : vector<16xi1>
      %eq3A_455 = arith.cmpf oeq, %add3A_104, %select_n3A_437 : vector<16xf32>
      %eq3A_456 = arith.cmpi eq, %gather3A_93, %select_n3A_438 : vector<16xi32>
      %and3A_457 = arith.andi %eq3A_455, %eq3A_456 : vector<16xi1>
      %or3A_458 = arith.ori %lt3A_9, %and3A_457 : vector<16xi1>
      %eq3A_459 = arith.cmpf oeq, %add3A_119, %select_n3A_437 : vector<16xf32>
      %eq3A_460 = arith.cmpi eq, %gather3A_108, %select_n3A_438 : vector<16xi32>
      %and3A_461 = arith.andi %eq3A_459, %eq3A_460 : vector<16xi1>
      %or3A_462 = arith.ori %lt3A_9, %and3A_461 : vector<16xi1>
      %eq3A_463 = arith.cmpf oeq, %add3A_134, %select_n3A_437 : vector<16xf32>
      %eq3A_464 = arith.cmpi eq, %gather3A_123, %select_n3A_438 : vector<16xi32>
      %and3A_465 = arith.andi %eq3A_463, %eq3A_464 : vector<16xi1>
      %or3A_466 = arith.ori %lt3A_9, %and3A_465 : vector<16xi1>
      %eq3A_467 = arith.cmpf oeq, %add3A_149, %select_n3A_437 : vector<16xf32>
      %eq3A_468 = arith.cmpi eq, %gather3A_138, %select_n3A_438 : vector<16xi32>
      %and3A_469 = arith.andi %eq3A_467, %eq3A_468 : vector<16xi1>
      %or3A_470 = arith.ori %lt3A_9, %and3A_469 : vector<16xi1>
      %eq3A_471 = arith.cmpf oeq, %add3A_164, %select_n3A_437 : vector<16xf32>
      %eq3A_472 = arith.cmpi eq, %gather3A_153, %select_n3A_438 : vector<16xi32>
      %and3A_473 = arith.andi %eq3A_471, %eq3A_472 : vector<16xi1>
      %or3A_474 = arith.ori %lt3A_9, %and3A_473 : vector<16xi1>
      %eq3A_475 = arith.cmpf oeq, %add3A_179, %select_n3A_437 : vector<16xf32>
      %eq3A_476 = arith.cmpi eq, %gather3A_168, %select_n3A_438 : vector<16xi32>
      %and3A_477 = arith.andi %eq3A_475, %eq3A_476 : vector<16xi1>
      %or3A_478 = arith.ori %lt3A_9, %and3A_477 : vector<16xi1>
      %eq3A_479 = arith.cmpf oeq, %add3A_194, %select_n3A_437 : vector<16xf32>
      %eq3A_480 = arith.cmpi eq, %gather3A_183, %select_n3A_438 : vector<16xi32>
      %and3A_481 = arith.andi %eq3A_479, %eq3A_480 : vector<16xi1>
      %or3A_482 = arith.ori %lt3A_9, %and3A_481 : vector<16xi1>
      %eq3A_483 = arith.cmpf oeq, %add3A_209, %select_n3A_437 : vector<16xf32>
      %eq3A_484 = arith.cmpi eq, %gather3A_198, %select_n3A_438 : vector<16xi32>
      %and3A_485 = arith.andi %eq3A_483, %eq3A_484 : vector<16xi1>
      %or3A_486 = arith.ori %lt3A_9, %and3A_485 : vector<16xi1>
      %eq3A_487 = arith.cmpf oeq, %add3A_224, %select_n3A_437 : vector<16xf32>
      %eq3A_488 = arith.cmpi eq, %gather3A_213, %select_n3A_438 : vector<16xi32>
      %and3A_489 = arith.andi %eq3A_487, %eq3A_488 : vector<16xi1>
      %or3A_490 = arith.ori %lt3A_9, %and3A_489 : vector<16xi1>
      %eq3A_491 = arith.cmpf oeq, %add3A_239, %select_n3A_437 : vector<16xf32>
      %eq3A_492 = arith.cmpi eq, %gather3A_228, %select_n3A_438 : vector<16xi32>
      %and3A_493 = arith.andi %eq3A_491, %eq3A_492 : vector<16xi1>
      %or3A_494 = arith.ori %lt3A_9, %and3A_493 : vector<16xi1>
      %select_n3A_495 = arith.select %or3A_442, %broadcast_in_dim3A_7, %add3A_44 : vector<16xi1>, vector<16xf32>
      %lt3A_496 = arith.cmpf olt, %broadcast_in_dim3A_7, %select_n3A_495 : vector<16xf32>
      %eq3A_497 = arith.cmpf oeq, %broadcast_in_dim3A_7, %select_n3A_495 : vector<16xf32>
      %lt3A_498 = arith.cmpi slt, %iota3A, %gather3A : vector<16xi32>
      %and3A_499 = arith.andi %eq3A_497, %lt3A_498 : vector<16xi1>
      %or3A_500 = arith.ori %lt3A_496, %and3A_499 : vector<16xi1>
      %select_n3A_501 = arith.select %or3A_500, %select_n3A_495, %broadcast_in_dim3A_7 : vector<16xi1>, vector<16xf32>
      %select_n3A_502 = arith.select %or3A_500, %gather3A, %iota3A : vector<16xi1>, vector<16xi32>
      %select_n3A_503 = arith.select %or3A_446, %broadcast_in_dim3A_7, %add3A_59 : vector<16xi1>, vector<16xf32>
      %lt3A_504 = arith.cmpf olt, %select_n3A_501, %select_n3A_503 : vector<16xf32>
      %eq3A_505 = arith.cmpf oeq, %select_n3A_501, %select_n3A_503 : vector<16xf32>
      %lt3A_506 = arith.cmpi slt, %select_n3A_502, %gather3A_48 : vector<16xi32>
      %and3A_507 = arith.andi %eq3A_505, %lt3A_506 : vector<16xi1>
      %or3A_508 = arith.ori %lt3A_504, %and3A_507 : vector<16xi1>
      %select_n3A_509 = arith.select %or3A_508, %select_n3A_503, %select_n3A_501 : vector<16xi1>, vector<16xf32>
      %select_n3A_510 = arith.select %or3A_508, %gather3A_48, %select_n3A_502 : vector<16xi1>, vector<16xi32>
      %select_n3A_511 = arith.select %or3A_450, %broadcast_in_dim3A_7, %add3A_74 : vector<16xi1>, vector<16xf32>
      %lt3A_512 = arith.cmpf olt, %select_n3A_509, %select_n3A_511 : vector<16xf32>
      %eq3A_513 = arith.cmpf oeq, %select_n3A_509, %select_n3A_511 : vector<16xf32>
      %lt3A_514 = arith.cmpi slt, %select_n3A_510, %gather3A_63 : vector<16xi32>
      %and3A_515 = arith.andi %eq3A_513, %lt3A_514 : vector<16xi1>
      %or3A_516 = arith.ori %lt3A_512, %and3A_515 : vector<16xi1>
      %select_n3A_517 = arith.select %or3A_516, %select_n3A_511, %select_n3A_509 : vector<16xi1>, vector<16xf32>
      %select_n3A_518 = arith.select %or3A_516, %gather3A_63, %select_n3A_510 : vector<16xi1>, vector<16xi32>
      %select_n3A_519 = arith.select %or3A_454, %broadcast_in_dim3A_7, %add3A_89 : vector<16xi1>, vector<16xf32>
      %lt3A_520 = arith.cmpf olt, %select_n3A_517, %select_n3A_519 : vector<16xf32>
      %eq3A_521 = arith.cmpf oeq, %select_n3A_517, %select_n3A_519 : vector<16xf32>
      %lt3A_522 = arith.cmpi slt, %select_n3A_518, %gather3A_78 : vector<16xi32>
      %and3A_523 = arith.andi %eq3A_521, %lt3A_522 : vector<16xi1>
      %or3A_524 = arith.ori %lt3A_520, %and3A_523 : vector<16xi1>
      %select_n3A_525 = arith.select %or3A_524, %select_n3A_519, %select_n3A_517 : vector<16xi1>, vector<16xf32>
      %select_n3A_526 = arith.select %or3A_524, %gather3A_78, %select_n3A_518 : vector<16xi1>, vector<16xi32>
      %select_n3A_527 = arith.select %or3A_458, %broadcast_in_dim3A_7, %add3A_104 : vector<16xi1>, vector<16xf32>
      %lt3A_528 = arith.cmpf olt, %select_n3A_525, %select_n3A_527 : vector<16xf32>
      %eq3A_529 = arith.cmpf oeq, %select_n3A_525, %select_n3A_527 : vector<16xf32>
      %lt3A_530 = arith.cmpi slt, %select_n3A_526, %gather3A_93 : vector<16xi32>
      %and3A_531 = arith.andi %eq3A_529, %lt3A_530 : vector<16xi1>
      %or3A_532 = arith.ori %lt3A_528, %and3A_531 : vector<16xi1>
      %select_n3A_533 = arith.select %or3A_532, %select_n3A_527, %select_n3A_525 : vector<16xi1>, vector<16xf32>
      %select_n3A_534 = arith.select %or3A_532, %gather3A_93, %select_n3A_526 : vector<16xi1>, vector<16xi32>
      %select_n3A_535 = arith.select %or3A_462, %broadcast_in_dim3A_7, %add3A_119 : vector<16xi1>, vector<16xf32>
      %lt3A_536 = arith.cmpf olt, %select_n3A_533, %select_n3A_535 : vector<16xf32>
      %eq3A_537 = arith.cmpf oeq, %select_n3A_533, %select_n3A_535 : vector<16xf32>
      %lt3A_538 = arith.cmpi slt, %select_n3A_534, %gather3A_108 : vector<16xi32>
      %and3A_539 = arith.andi %eq3A_537, %lt3A_538 : vector<16xi1>
      %or3A_540 = arith.ori %lt3A_536, %and3A_539 : vector<16xi1>
      %select_n3A_541 = arith.select %or3A_540, %select_n3A_535, %select_n3A_533 : vector<16xi1>, vector<16xf32>
      %select_n3A_542 = arith.select %or3A_540, %gather3A_108, %select_n3A_534 : vector<16xi1>, vector<16xi32>
      %select_n3A_543 = arith.select %or3A_466, %broadcast_in_dim3A_7, %add3A_134 : vector<16xi1>, vector<16xf32>
      %lt3A_544 = arith.cmpf olt, %select_n3A_541, %select_n3A_543 : vector<16xf32>
      %eq3A_545 = arith.cmpf oeq, %select_n3A_541, %select_n3A_543 : vector<16xf32>
      %lt3A_546 = arith.cmpi slt, %select_n3A_542, %gather3A_123 : vector<16xi32>
      %and3A_547 = arith.andi %eq3A_545, %lt3A_546 : vector<16xi1>
      %or3A_548 = arith.ori %lt3A_544, %and3A_547 : vector<16xi1>
      %select_n3A_549 = arith.select %or3A_548, %select_n3A_543, %select_n3A_541 : vector<16xi1>, vector<16xf32>
      %select_n3A_550 = arith.select %or3A_548, %gather3A_123, %select_n3A_542 : vector<16xi1>, vector<16xi32>
      %select_n3A_551 = arith.select %or3A_470, %broadcast_in_dim3A_7, %add3A_149 : vector<16xi1>, vector<16xf32>
      %lt3A_552 = arith.cmpf olt, %select_n3A_549, %select_n3A_551 : vector<16xf32>
      %eq3A_553 = arith.cmpf oeq, %select_n3A_549, %select_n3A_551 : vector<16xf32>
      %lt3A_554 = arith.cmpi slt, %select_n3A_550, %gather3A_138 : vector<16xi32>
      %and3A_555 = arith.andi %eq3A_553, %lt3A_554 : vector<16xi1>
      %or3A_556 = arith.ori %lt3A_552, %and3A_555 : vector<16xi1>
      %select_n3A_557 = arith.select %or3A_556, %select_n3A_551, %select_n3A_549 : vector<16xi1>, vector<16xf32>
      %select_n3A_558 = arith.select %or3A_556, %gather3A_138, %select_n3A_550 : vector<16xi1>, vector<16xi32>
      %select_n3A_559 = arith.select %or3A_474, %broadcast_in_dim3A_7, %add3A_164 : vector<16xi1>, vector<16xf32>
      %lt3A_560 = arith.cmpf olt, %select_n3A_557, %select_n3A_559 : vector<16xf32>
      %eq3A_561 = arith.cmpf oeq, %select_n3A_557, %select_n3A_559 : vector<16xf32>
      %lt3A_562 = arith.cmpi slt, %select_n3A_558, %gather3A_153 : vector<16xi32>
      %and3A_563 = arith.andi %eq3A_561, %lt3A_562 : vector<16xi1>
      %or3A_564 = arith.ori %lt3A_560, %and3A_563 : vector<16xi1>
      %select_n3A_565 = arith.select %or3A_564, %select_n3A_559, %select_n3A_557 : vector<16xi1>, vector<16xf32>
      %select_n3A_566 = arith.select %or3A_564, %gather3A_153, %select_n3A_558 : vector<16xi1>, vector<16xi32>
      %select_n3A_567 = arith.select %or3A_478, %broadcast_in_dim3A_7, %add3A_179 : vector<16xi1>, vector<16xf32>
      %lt3A_568 = arith.cmpf olt, %select_n3A_565, %select_n3A_567 : vector<16xf32>
      %eq3A_569 = arith.cmpf oeq, %select_n3A_565, %select_n3A_567 : vector<16xf32>
      %lt3A_570 = arith.cmpi slt, %select_n3A_566, %gather3A_168 : vector<16xi32>
      %and3A_571 = arith.andi %eq3A_569, %lt3A_570 : vector<16xi1>
      %or3A_572 = arith.ori %lt3A_568, %and3A_571 : vector<16xi1>
      %select_n3A_573 = arith.select %or3A_572, %select_n3A_567, %select_n3A_565 : vector<16xi1>, vector<16xf32>
      %select_n3A_574 = arith.select %or3A_572, %gather3A_168, %select_n3A_566 : vector<16xi1>, vector<16xi32>
      %select_n3A_575 = arith.select %or3A_482, %broadcast_in_dim3A_7, %add3A_194 : vector<16xi1>, vector<16xf32>
      %lt3A_576 = arith.cmpf olt, %select_n3A_573, %select_n3A_575 : vector<16xf32>
      %eq3A_577 = arith.cmpf oeq, %select_n3A_573, %select_n3A_575 : vector<16xf32>
      %lt3A_578 = arith.cmpi slt, %select_n3A_574, %gather3A_183 : vector<16xi32>
      %and3A_579 = arith.andi %eq3A_577, %lt3A_578 : vector<16xi1>
      %or3A_580 = arith.ori %lt3A_576, %and3A_579 : vector<16xi1>
      %select_n3A_581 = arith.select %or3A_580, %select_n3A_575, %select_n3A_573 : vector<16xi1>, vector<16xf32>
      %select_n3A_582 = arith.select %or3A_580, %gather3A_183, %select_n3A_574 : vector<16xi1>, vector<16xi32>
      %select_n3A_583 = arith.select %or3A_486, %broadcast_in_dim3A_7, %add3A_209 : vector<16xi1>, vector<16xf32>
      %lt3A_584 = arith.cmpf olt, %select_n3A_581, %select_n3A_583 : vector<16xf32>
      %eq3A_585 = arith.cmpf oeq, %select_n3A_581, %select_n3A_583 : vector<16xf32>
      %lt3A_586 = arith.cmpi slt, %select_n3A_582, %gather3A_198 : vector<16xi32>
      %and3A_587 = arith.andi %eq3A_585, %lt3A_586 : vector<16xi1>
      %or3A_588 = arith.ori %lt3A_584, %and3A_587 : vector<16xi1>
      %select_n3A_589 = arith.select %or3A_588, %select_n3A_583, %select_n3A_581 : vector<16xi1>, vector<16xf32>
      %select_n3A_590 = arith.select %or3A_588, %gather3A_198, %select_n3A_582 : vector<16xi1>, vector<16xi32>
      %select_n3A_591 = arith.select %or3A_490, %broadcast_in_dim3A_7, %add3A_224 : vector<16xi1>, vector<16xf32>
      %lt3A_592 = arith.cmpf olt, %select_n3A_589, %select_n3A_591 : vector<16xf32>
      %eq3A_593 = arith.cmpf oeq, %select_n3A_589, %select_n3A_591 : vector<16xf32>
      %lt3A_594 = arith.cmpi slt, %select_n3A_590, %gather3A_213 : vector<16xi32>
      %and3A_595 = arith.andi %eq3A_593, %lt3A_594 : vector<16xi1>
      %or3A_596 = arith.ori %lt3A_592, %and3A_595 : vector<16xi1>
      %select_n3A_597 = arith.select %or3A_596, %select_n3A_591, %select_n3A_589 : vector<16xi1>, vector<16xf32>
      %select_n3A_598 = arith.select %or3A_596, %gather3A_213, %select_n3A_590 : vector<16xi1>, vector<16xi32>
      %select_n3A_599 = arith.select %or3A_494, %broadcast_in_dim3A_7, %add3A_239 : vector<16xi1>, vector<16xf32>
      %lt3A_600 = arith.cmpf olt, %select_n3A_597, %select_n3A_599 : vector<16xf32>
      %eq3A_601 = arith.cmpf oeq, %select_n3A_597, %select_n3A_599 : vector<16xf32>
      %lt3A_602 = arith.cmpi slt, %select_n3A_598, %gather3A_228 : vector<16xi32>
      %and3A_603 = arith.andi %eq3A_601, %lt3A_602 : vector<16xi1>
      %or3A_604 = arith.ori %lt3A_600, %and3A_603 : vector<16xi1>
      %select_n3A_605 = arith.select %or3A_604, %select_n3A_599, %select_n3A_597 : vector<16xi1>, vector<16xf32>
      %select_n3A_606 = arith.select %or3A_604, %gather3A_228, %select_n3A_598 : vector<16xi1>, vector<16xi32>
      %eq3A_607 = arith.cmpf oeq, %add3A_44, %select_n3A_605 : vector<16xf32>
      %eq3A_608 = arith.cmpi eq, %gather3A, %select_n3A_606 : vector<16xi32>
      %and3A_609 = arith.andi %eq3A_607, %eq3A_608 : vector<16xi1>
      %or3A_610 = arith.ori %or3A_442, %and3A_609 : vector<16xi1>
      %eq3A_611 = arith.cmpf oeq, %add3A_59, %select_n3A_605 : vector<16xf32>
      %eq3A_612 = arith.cmpi eq, %gather3A_48, %select_n3A_606 : vector<16xi32>
      %and3A_613 = arith.andi %eq3A_611, %eq3A_612 : vector<16xi1>
      %or3A_614 = arith.ori %or3A_446, %and3A_613 : vector<16xi1>
      %eq3A_615 = arith.cmpf oeq, %add3A_74, %select_n3A_605 : vector<16xf32>
      %eq3A_616 = arith.cmpi eq, %gather3A_63, %select_n3A_606 : vector<16xi32>
      %and3A_617 = arith.andi %eq3A_615, %eq3A_616 : vector<16xi1>
      %or3A_618 = arith.ori %or3A_450, %and3A_617 : vector<16xi1>
      %eq3A_619 = arith.cmpf oeq, %add3A_89, %select_n3A_605 : vector<16xf32>
      %eq3A_620 = arith.cmpi eq, %gather3A_78, %select_n3A_606 : vector<16xi32>
      %and3A_621 = arith.andi %eq3A_619, %eq3A_620 : vector<16xi1>
      %or3A_622 = arith.ori %or3A_454, %and3A_621 : vector<16xi1>
      %eq3A_623 = arith.cmpf oeq, %add3A_104, %select_n3A_605 : vector<16xf32>
      %eq3A_624 = arith.cmpi eq, %gather3A_93, %select_n3A_606 : vector<16xi32>
      %and3A_625 = arith.andi %eq3A_623, %eq3A_624 : vector<16xi1>
      %or3A_626 = arith.ori %or3A_458, %and3A_625 : vector<16xi1>
      %eq3A_627 = arith.cmpf oeq, %add3A_119, %select_n3A_605 : vector<16xf32>
      %eq3A_628 = arith.cmpi eq, %gather3A_108, %select_n3A_606 : vector<16xi32>
      %and3A_629 = arith.andi %eq3A_627, %eq3A_628 : vector<16xi1>
      %or3A_630 = arith.ori %or3A_462, %and3A_629 : vector<16xi1>
      %eq3A_631 = arith.cmpf oeq, %add3A_134, %select_n3A_605 : vector<16xf32>
      %eq3A_632 = arith.cmpi eq, %gather3A_123, %select_n3A_606 : vector<16xi32>
      %and3A_633 = arith.andi %eq3A_631, %eq3A_632 : vector<16xi1>
      %or3A_634 = arith.ori %or3A_466, %and3A_633 : vector<16xi1>
      %eq3A_635 = arith.cmpf oeq, %add3A_149, %select_n3A_605 : vector<16xf32>
      %eq3A_636 = arith.cmpi eq, %gather3A_138, %select_n3A_606 : vector<16xi32>
      %and3A_637 = arith.andi %eq3A_635, %eq3A_636 : vector<16xi1>
      %or3A_638 = arith.ori %or3A_470, %and3A_637 : vector<16xi1>
      %eq3A_639 = arith.cmpf oeq, %add3A_164, %select_n3A_605 : vector<16xf32>
      %eq3A_640 = arith.cmpi eq, %gather3A_153, %select_n3A_606 : vector<16xi32>
      %and3A_641 = arith.andi %eq3A_639, %eq3A_640 : vector<16xi1>
      %or3A_642 = arith.ori %or3A_474, %and3A_641 : vector<16xi1>
      %eq3A_643 = arith.cmpf oeq, %add3A_179, %select_n3A_605 : vector<16xf32>
      %eq3A_644 = arith.cmpi eq, %gather3A_168, %select_n3A_606 : vector<16xi32>
      %and3A_645 = arith.andi %eq3A_643, %eq3A_644 : vector<16xi1>
      %or3A_646 = arith.ori %or3A_478, %and3A_645 : vector<16xi1>
      %eq3A_647 = arith.cmpf oeq, %add3A_194, %select_n3A_605 : vector<16xf32>
      %eq3A_648 = arith.cmpi eq, %gather3A_183, %select_n3A_606 : vector<16xi32>
      %and3A_649 = arith.andi %eq3A_647, %eq3A_648 : vector<16xi1>
      %or3A_650 = arith.ori %or3A_482, %and3A_649 : vector<16xi1>
      %eq3A_651 = arith.cmpf oeq, %add3A_209, %select_n3A_605 : vector<16xf32>
      %eq3A_652 = arith.cmpi eq, %gather3A_198, %select_n3A_606 : vector<16xi32>
      %and3A_653 = arith.andi %eq3A_651, %eq3A_652 : vector<16xi1>
      %or3A_654 = arith.ori %or3A_486, %and3A_653 : vector<16xi1>
      %eq3A_655 = arith.cmpf oeq, %add3A_224, %select_n3A_605 : vector<16xf32>
      %eq3A_656 = arith.cmpi eq, %gather3A_213, %select_n3A_606 : vector<16xi32>
      %and3A_657 = arith.andi %eq3A_655, %eq3A_656 : vector<16xi1>
      %or3A_658 = arith.ori %or3A_490, %and3A_657 : vector<16xi1>
      %eq3A_659 = arith.cmpf oeq, %add3A_239, %select_n3A_605 : vector<16xf32>
      %eq3A_660 = arith.cmpi eq, %gather3A_228, %select_n3A_606 : vector<16xi32>
      %and3A_661 = arith.andi %eq3A_659, %eq3A_660 : vector<16xi1>
      %or3A_662 = arith.ori %or3A_494, %and3A_661 : vector<16xi1>
      %select_n3A_663 = arith.select %or3A_610, %broadcast_in_dim3A_7, %add3A_44 : vector<16xi1>, vector<16xf32>
      %lt3A_664 = arith.cmpf olt, %broadcast_in_dim3A_7, %select_n3A_663 : vector<16xf32>
      %eq3A_665 = arith.cmpf oeq, %broadcast_in_dim3A_7, %select_n3A_663 : vector<16xf32>
      %lt3A_666 = arith.cmpi slt, %iota3A, %gather3A : vector<16xi32>
      %and3A_667 = arith.andi %eq3A_665, %lt3A_666 : vector<16xi1>
      %or3A_668 = arith.ori %lt3A_664, %and3A_667 : vector<16xi1>
      %select_n3A_669 = arith.select %or3A_668, %select_n3A_663, %broadcast_in_dim3A_7 : vector<16xi1>, vector<16xf32>
      %select_n3A_670 = arith.select %or3A_668, %gather3A, %iota3A : vector<16xi1>, vector<16xi32>
      %select_n3A_671 = arith.select %or3A_614, %broadcast_in_dim3A_7, %add3A_59 : vector<16xi1>, vector<16xf32>
      %lt3A_672 = arith.cmpf olt, %select_n3A_669, %select_n3A_671 : vector<16xf32>
      %eq3A_673 = arith.cmpf oeq, %select_n3A_669, %select_n3A_671 : vector<16xf32>
      %lt3A_674 = arith.cmpi slt, %select_n3A_670, %gather3A_48 : vector<16xi32>
      %and3A_675 = arith.andi %eq3A_673, %lt3A_674 : vector<16xi1>
      %or3A_676 = arith.ori %lt3A_672, %and3A_675 : vector<16xi1>
      %select_n3A_677 = arith.select %or3A_676, %select_n3A_671, %select_n3A_669 : vector<16xi1>, vector<16xf32>
      %select_n3A_678 = arith.select %or3A_676, %gather3A_48, %select_n3A_670 : vector<16xi1>, vector<16xi32>
      %select_n3A_679 = arith.select %or3A_618, %broadcast_in_dim3A_7, %add3A_74 : vector<16xi1>, vector<16xf32>
      %lt3A_680 = arith.cmpf olt, %select_n3A_677, %select_n3A_679 : vector<16xf32>
      %eq3A_681 = arith.cmpf oeq, %select_n3A_677, %select_n3A_679 : vector<16xf32>
      %lt3A_682 = arith.cmpi slt, %select_n3A_678, %gather3A_63 : vector<16xi32>
      %and3A_683 = arith.andi %eq3A_681, %lt3A_682 : vector<16xi1>
      %or3A_684 = arith.ori %lt3A_680, %and3A_683 : vector<16xi1>
      %select_n3A_685 = arith.select %or3A_684, %select_n3A_679, %select_n3A_677 : vector<16xi1>, vector<16xf32>
      %select_n3A_686 = arith.select %or3A_684, %gather3A_63, %select_n3A_678 : vector<16xi1>, vector<16xi32>
      %select_n3A_687 = arith.select %or3A_622, %broadcast_in_dim3A_7, %add3A_89 : vector<16xi1>, vector<16xf32>
      %lt3A_688 = arith.cmpf olt, %select_n3A_685, %select_n3A_687 : vector<16xf32>
      %eq3A_689 = arith.cmpf oeq, %select_n3A_685, %select_n3A_687 : vector<16xf32>
      %lt3A_690 = arith.cmpi slt, %select_n3A_686, %gather3A_78 : vector<16xi32>
      %and3A_691 = arith.andi %eq3A_689, %lt3A_690 : vector<16xi1>
      %or3A_692 = arith.ori %lt3A_688, %and3A_691 : vector<16xi1>
      %select_n3A_693 = arith.select %or3A_692, %select_n3A_687, %select_n3A_685 : vector<16xi1>, vector<16xf32>
      %select_n3A_694 = arith.select %or3A_692, %gather3A_78, %select_n3A_686 : vector<16xi1>, vector<16xi32>
      %select_n3A_695 = arith.select %or3A_626, %broadcast_in_dim3A_7, %add3A_104 : vector<16xi1>, vector<16xf32>
      %lt3A_696 = arith.cmpf olt, %select_n3A_693, %select_n3A_695 : vector<16xf32>
      %eq3A_697 = arith.cmpf oeq, %select_n3A_693, %select_n3A_695 : vector<16xf32>
      %lt3A_698 = arith.cmpi slt, %select_n3A_694, %gather3A_93 : vector<16xi32>
      %and3A_699 = arith.andi %eq3A_697, %lt3A_698 : vector<16xi1>
      %or3A_700 = arith.ori %lt3A_696, %and3A_699 : vector<16xi1>
      %select_n3A_701 = arith.select %or3A_700, %select_n3A_695, %select_n3A_693 : vector<16xi1>, vector<16xf32>
      %select_n3A_702 = arith.select %or3A_700, %gather3A_93, %select_n3A_694 : vector<16xi1>, vector<16xi32>
      %select_n3A_703 = arith.select %or3A_630, %broadcast_in_dim3A_7, %add3A_119 : vector<16xi1>, vector<16xf32>
      %lt3A_704 = arith.cmpf olt, %select_n3A_701, %select_n3A_703 : vector<16xf32>
      %eq3A_705 = arith.cmpf oeq, %select_n3A_701, %select_n3A_703 : vector<16xf32>
      %lt3A_706 = arith.cmpi slt, %select_n3A_702, %gather3A_108 : vector<16xi32>
      %and3A_707 = arith.andi %eq3A_705, %lt3A_706 : vector<16xi1>
      %or3A_708 = arith.ori %lt3A_704, %and3A_707 : vector<16xi1>
      %select_n3A_709 = arith.select %or3A_708, %select_n3A_703, %select_n3A_701 : vector<16xi1>, vector<16xf32>
      %select_n3A_710 = arith.select %or3A_708, %gather3A_108, %select_n3A_702 : vector<16xi1>, vector<16xi32>
      %select_n3A_711 = arith.select %or3A_634, %broadcast_in_dim3A_7, %add3A_134 : vector<16xi1>, vector<16xf32>
      %lt3A_712 = arith.cmpf olt, %select_n3A_709, %select_n3A_711 : vector<16xf32>
      %eq3A_713 = arith.cmpf oeq, %select_n3A_709, %select_n3A_711 : vector<16xf32>
      %lt3A_714 = arith.cmpi slt, %select_n3A_710, %gather3A_123 : vector<16xi32>
      %and3A_715 = arith.andi %eq3A_713, %lt3A_714 : vector<16xi1>
      %or3A_716 = arith.ori %lt3A_712, %and3A_715 : vector<16xi1>
      %select_n3A_717 = arith.select %or3A_716, %select_n3A_711, %select_n3A_709 : vector<16xi1>, vector<16xf32>
      %select_n3A_718 = arith.select %or3A_716, %gather3A_123, %select_n3A_710 : vector<16xi1>, vector<16xi32>
      %select_n3A_719 = arith.select %or3A_638, %broadcast_in_dim3A_7, %add3A_149 : vector<16xi1>, vector<16xf32>
      %lt3A_720 = arith.cmpf olt, %select_n3A_717, %select_n3A_719 : vector<16xf32>
      %eq3A_721 = arith.cmpf oeq, %select_n3A_717, %select_n3A_719 : vector<16xf32>
      %lt3A_722 = arith.cmpi slt, %select_n3A_718, %gather3A_138 : vector<16xi32>
      %and3A_723 = arith.andi %eq3A_721, %lt3A_722 : vector<16xi1>
      %or3A_724 = arith.ori %lt3A_720, %and3A_723 : vector<16xi1>
      %select_n3A_725 = arith.select %or3A_724, %select_n3A_719, %select_n3A_717 : vector<16xi1>, vector<16xf32>
      %select_n3A_726 = arith.select %or3A_724, %gather3A_138, %select_n3A_718 : vector<16xi1>, vector<16xi32>
      %select_n3A_727 = arith.select %or3A_642, %broadcast_in_dim3A_7, %add3A_164 : vector<16xi1>, vector<16xf32>
      %lt3A_728 = arith.cmpf olt, %select_n3A_725, %select_n3A_727 : vector<16xf32>
      %eq3A_729 = arith.cmpf oeq, %select_n3A_725, %select_n3A_727 : vector<16xf32>
      %lt3A_730 = arith.cmpi slt, %select_n3A_726, %gather3A_153 : vector<16xi32>
      %and3A_731 = arith.andi %eq3A_729, %lt3A_730 : vector<16xi1>
      %or3A_732 = arith.ori %lt3A_728, %and3A_731 : vector<16xi1>
      %select_n3A_733 = arith.select %or3A_732, %select_n3A_727, %select_n3A_725 : vector<16xi1>, vector<16xf32>
      %select_n3A_734 = arith.select %or3A_732, %gather3A_153, %select_n3A_726 : vector<16xi1>, vector<16xi32>
      %select_n3A_735 = arith.select %or3A_646, %broadcast_in_dim3A_7, %add3A_179 : vector<16xi1>, vector<16xf32>
      %lt3A_736 = arith.cmpf olt, %select_n3A_733, %select_n3A_735 : vector<16xf32>
      %eq3A_737 = arith.cmpf oeq, %select_n3A_733, %select_n3A_735 : vector<16xf32>
      %lt3A_738 = arith.cmpi slt, %select_n3A_734, %gather3A_168 : vector<16xi32>
      %and3A_739 = arith.andi %eq3A_737, %lt3A_738 : vector<16xi1>
      %or3A_740 = arith.ori %lt3A_736, %and3A_739 : vector<16xi1>
      %select_n3A_741 = arith.select %or3A_740, %select_n3A_735, %select_n3A_733 : vector<16xi1>, vector<16xf32>
      %select_n3A_742 = arith.select %or3A_740, %gather3A_168, %select_n3A_734 : vector<16xi1>, vector<16xi32>
      %select_n3A_743 = arith.select %or3A_650, %broadcast_in_dim3A_7, %add3A_194 : vector<16xi1>, vector<16xf32>
      %lt3A_744 = arith.cmpf olt, %select_n3A_741, %select_n3A_743 : vector<16xf32>
      %eq3A_745 = arith.cmpf oeq, %select_n3A_741, %select_n3A_743 : vector<16xf32>
      %lt3A_746 = arith.cmpi slt, %select_n3A_742, %gather3A_183 : vector<16xi32>
      %and3A_747 = arith.andi %eq3A_745, %lt3A_746 : vector<16xi1>
      %or3A_748 = arith.ori %lt3A_744, %and3A_747 : vector<16xi1>
      %select_n3A_749 = arith.select %or3A_748, %select_n3A_743, %select_n3A_741 : vector<16xi1>, vector<16xf32>
      %select_n3A_750 = arith.select %or3A_748, %gather3A_183, %select_n3A_742 : vector<16xi1>, vector<16xi32>
      %select_n3A_751 = arith.select %or3A_654, %broadcast_in_dim3A_7, %add3A_209 : vector<16xi1>, vector<16xf32>
      %lt3A_752 = arith.cmpf olt, %select_n3A_749, %select_n3A_751 : vector<16xf32>
      %eq3A_753 = arith.cmpf oeq, %select_n3A_749, %select_n3A_751 : vector<16xf32>
      %lt3A_754 = arith.cmpi slt, %select_n3A_750, %gather3A_198 : vector<16xi32>
      %and3A_755 = arith.andi %eq3A_753, %lt3A_754 : vector<16xi1>
      %or3A_756 = arith.ori %lt3A_752, %and3A_755 : vector<16xi1>
      %select_n3A_757 = arith.select %or3A_756, %select_n3A_751, %select_n3A_749 : vector<16xi1>, vector<16xf32>
      %select_n3A_758 = arith.select %or3A_756, %gather3A_198, %select_n3A_750 : vector<16xi1>, vector<16xi32>
      %select_n3A_759 = arith.select %or3A_658, %broadcast_in_dim3A_7, %add3A_224 : vector<16xi1>, vector<16xf32>
      %lt3A_760 = arith.cmpf olt, %select_n3A_757, %select_n3A_759 : vector<16xf32>
      %eq3A_761 = arith.cmpf oeq, %select_n3A_757, %select_n3A_759 : vector<16xf32>
      %lt3A_762 = arith.cmpi slt, %select_n3A_758, %gather3A_213 : vector<16xi32>
      %and3A_763 = arith.andi %eq3A_761, %lt3A_762 : vector<16xi1>
      %or3A_764 = arith.ori %lt3A_760, %and3A_763 : vector<16xi1>
      %select_n3A_765 = arith.select %or3A_764, %select_n3A_759, %select_n3A_757 : vector<16xi1>, vector<16xf32>
      %select_n3A_766 = arith.select %or3A_764, %gather3A_213, %select_n3A_758 : vector<16xi1>, vector<16xi32>
      %select_n3A_767 = arith.select %or3A_662, %broadcast_in_dim3A_7, %add3A_239 : vector<16xi1>, vector<16xf32>
      %lt3A_768 = arith.cmpf olt, %select_n3A_765, %select_n3A_767 : vector<16xf32>
      %eq3A_769 = arith.cmpf oeq, %select_n3A_765, %select_n3A_767 : vector<16xf32>
      %lt3A_770 = arith.cmpi slt, %select_n3A_766, %gather3A_228 : vector<16xi32>
      %and3A_771 = arith.andi %eq3A_769, %lt3A_770 : vector<16xi1>
      %or3A_772 = arith.ori %lt3A_768, %and3A_771 : vector<16xi1>
      %select_n3A_773 = arith.select %or3A_772, %select_n3A_767, %select_n3A_765 : vector<16xi1>, vector<16xf32>
      %select_n3A_774 = arith.select %or3A_772, %gather3A_228, %select_n3A_766 : vector<16xi1>, vector<16xi32>
      %eq3A_775 = arith.cmpf oeq, %add3A_44, %select_n3A_773 : vector<16xf32>
      %eq3A_776 = arith.cmpi eq, %gather3A, %select_n3A_774 : vector<16xi32>
      %and3A_777 = arith.andi %eq3A_775, %eq3A_776 : vector<16xi1>
      %or3A_778 = arith.ori %or3A_610, %and3A_777 : vector<16xi1>
      %eq3A_779 = arith.cmpf oeq, %add3A_59, %select_n3A_773 : vector<16xf32>
      %eq3A_780 = arith.cmpi eq, %gather3A_48, %select_n3A_774 : vector<16xi32>
      %and3A_781 = arith.andi %eq3A_779, %eq3A_780 : vector<16xi1>
      %or3A_782 = arith.ori %or3A_614, %and3A_781 : vector<16xi1>
      %eq3A_783 = arith.cmpf oeq, %add3A_74, %select_n3A_773 : vector<16xf32>
      %eq3A_784 = arith.cmpi eq, %gather3A_63, %select_n3A_774 : vector<16xi32>
      %and3A_785 = arith.andi %eq3A_783, %eq3A_784 : vector<16xi1>
      %or3A_786 = arith.ori %or3A_618, %and3A_785 : vector<16xi1>
      %eq3A_787 = arith.cmpf oeq, %add3A_89, %select_n3A_773 : vector<16xf32>
      %eq3A_788 = arith.cmpi eq, %gather3A_78, %select_n3A_774 : vector<16xi32>
      %and3A_789 = arith.andi %eq3A_787, %eq3A_788 : vector<16xi1>
      %or3A_790 = arith.ori %or3A_622, %and3A_789 : vector<16xi1>
      %eq3A_791 = arith.cmpf oeq, %add3A_104, %select_n3A_773 : vector<16xf32>
      %eq3A_792 = arith.cmpi eq, %gather3A_93, %select_n3A_774 : vector<16xi32>
      %and3A_793 = arith.andi %eq3A_791, %eq3A_792 : vector<16xi1>
      %or3A_794 = arith.ori %or3A_626, %and3A_793 : vector<16xi1>
      %eq3A_795 = arith.cmpf oeq, %add3A_119, %select_n3A_773 : vector<16xf32>
      %eq3A_796 = arith.cmpi eq, %gather3A_108, %select_n3A_774 : vector<16xi32>
      %and3A_797 = arith.andi %eq3A_795, %eq3A_796 : vector<16xi1>
      %or3A_798 = arith.ori %or3A_630, %and3A_797 : vector<16xi1>
      %eq3A_799 = arith.cmpf oeq, %add3A_134, %select_n3A_773 : vector<16xf32>
      %eq3A_800 = arith.cmpi eq, %gather3A_123, %select_n3A_774 : vector<16xi32>
      %and3A_801 = arith.andi %eq3A_799, %eq3A_800 : vector<16xi1>
      %or3A_802 = arith.ori %or3A_634, %and3A_801 : vector<16xi1>
      %eq3A_803 = arith.cmpf oeq, %add3A_149, %select_n3A_773 : vector<16xf32>
      %eq3A_804 = arith.cmpi eq, %gather3A_138, %select_n3A_774 : vector<16xi32>
      %and3A_805 = arith.andi %eq3A_803, %eq3A_804 : vector<16xi1>
      %or3A_806 = arith.ori %or3A_638, %and3A_805 : vector<16xi1>
      %eq3A_807 = arith.cmpf oeq, %add3A_164, %select_n3A_773 : vector<16xf32>
      %eq3A_808 = arith.cmpi eq, %gather3A_153, %select_n3A_774 : vector<16xi32>
      %and3A_809 = arith.andi %eq3A_807, %eq3A_808 : vector<16xi1>
      %or3A_810 = arith.ori %or3A_642, %and3A_809 : vector<16xi1>
      %eq3A_811 = arith.cmpf oeq, %add3A_179, %select_n3A_773 : vector<16xf32>
      %eq3A_812 = arith.cmpi eq, %gather3A_168, %select_n3A_774 : vector<16xi32>
      %and3A_813 = arith.andi %eq3A_811, %eq3A_812 : vector<16xi1>
      %or3A_814 = arith.ori %or3A_646, %and3A_813 : vector<16xi1>
      %eq3A_815 = arith.cmpf oeq, %add3A_194, %select_n3A_773 : vector<16xf32>
      %eq3A_816 = arith.cmpi eq, %gather3A_183, %select_n3A_774 : vector<16xi32>
      %and3A_817 = arith.andi %eq3A_815, %eq3A_816 : vector<16xi1>
      %or3A_818 = arith.ori %or3A_650, %and3A_817 : vector<16xi1>
      %eq3A_819 = arith.cmpf oeq, %add3A_209, %select_n3A_773 : vector<16xf32>
      %eq3A_820 = arith.cmpi eq, %gather3A_198, %select_n3A_774 : vector<16xi32>
      %and3A_821 = arith.andi %eq3A_819, %eq3A_820 : vector<16xi1>
      %or3A_822 = arith.ori %or3A_654, %and3A_821 : vector<16xi1>
      %eq3A_823 = arith.cmpf oeq, %add3A_224, %select_n3A_773 : vector<16xf32>
      %eq3A_824 = arith.cmpi eq, %gather3A_213, %select_n3A_774 : vector<16xi32>
      %and3A_825 = arith.andi %eq3A_823, %eq3A_824 : vector<16xi1>
      %or3A_826 = arith.ori %or3A_658, %and3A_825 : vector<16xi1>
      %eq3A_827 = arith.cmpf oeq, %add3A_239, %select_n3A_773 : vector<16xf32>
      %eq3A_828 = arith.cmpi eq, %gather3A_228, %select_n3A_774 : vector<16xi32>
      %and3A_829 = arith.andi %eq3A_827, %eq3A_828 : vector<16xi1>
      %or3A_830 = arith.ori %or3A_662, %and3A_829 : vector<16xi1>
      %gather3A_831 = tpu.vector_load_idx %arg13[%select_n3A_326] : memref<4096xf32, #tpu.memory_space<vmem>>[vector<16xi32>], vector<16xf32>,
      %gather3A_832 = tpu.vector_load_idx %arg14[%select_n3A_326] : memref<4096xf32, #tpu.memory_space<vmem>>[vector<16xi32>], vector<16xf32>,
      %gather3A_833 = tpu.vector_load_idx %arg15[%select_n3A_326] : memref<4096xf32, #tpu.memory_space<vmem>>[vector<16xi32>], vector<16xf32>,
      %sub3A_834 = arith.subf %get3A_20, %gather3A_831 : vector<16xf32>
      %sub3A_835 = arith.subf %get3A_22, %gather3A_832 : vector<16xf32>
      %sub3A_836 = arith.subf %get3A_24, %gather3A_833 : vector<16xf32>
      %gather3A_837 = tpu.vector_load_idx %arg13[%gather3A] : memref<4096xf32, #tpu.memory_space<vmem>>[vector<16xi32>], vector<16xf32>,
      %sub3A_838 = arith.subf %gather3A_837, %gather3A_831 : vector<16xf32>
      %gather3A_839 = tpu.vector_load_idx %arg14[%gather3A] : memref<4096xf32, #tpu.memory_space<vmem>>[vector<16xi32>], vector<16xf32>,
      %sub3A_840 = arith.subf %gather3A_839, %gather3A_832 : vector<16xf32>
      %gather3A_841 = tpu.vector_load_idx %arg15[%gather3A] : memref<4096xf32, #tpu.memory_space<vmem>>[vector<16xi32>], vector<16xf32>,
      %sub3A_842 = arith.subf %gather3A_841, %gather3A_833 : vector<16xf32>
      %mul3A_843 = arith.mulf %sub3A_838, %sub3A_838 : vector<16xf32>
      %mul3A_844 = arith.mulf %sub3A_840, %sub3A_840 : vector<16xf32>
      %add3A_845 = arith.addf %mul3A_843, %mul3A_844 : vector<16xf32>
      %mul3A_846 = arith.mulf %sub3A_842, %sub3A_842 : vector<16xf32>
      %add3A_847 = arith.addf %add3A_845, %mul3A_846 : vector<16xf32>
      %mul3A_848 = arith.mulf %sub3A_834, %sub3A_838 : vector<16xf32>
      %mul3A_849 = arith.mulf %sub3A_835, %sub3A_840 : vector<16xf32>
      %add3A_850 = arith.addf %mul3A_848, %mul3A_849 : vector<16xf32>
      %mul3A_851 = arith.mulf %sub3A_836, %sub3A_842 : vector<16xf32>
      %add3A_852 = arith.addf %add3A_850, %mul3A_851 : vector<16xf32>
      %mul3A_853 = arith.mulf %add3A_852, %add3A_852 : vector<16xf32>
      %div3A = arith.divf %mul3A_853, %add3A_847 : vector<16xf32>
      %sub3A_854 = arith.subf %div3A, %add3A_852 : vector<16xf32>
      %mul3A_855 = arith.constant 2.500000e-01 : f32
      %mul3A_856 = vector.broadcast %mul3A_855 : f32 to vector<16xf32>
      %mul3A_857 = arith.mulf %add3A_847, %mul3A_856 : vector<16xf32>
      %add3A_858 = arith.addf %sub3A_854, %mul3A_857 : vector<16xf32>
      %eq3A_859 = arith.cmpf oeq, %add3A_44, %select_n3A_325 : vector<16xf32>
      %eq3A_860 = arith.cmpi eq, %gather3A, %select_n3A_326 : vector<16xi32>
      %and3A_861 = arith.andi %eq3A_859, %eq3A_860 : vector<16xi1>
      %or3A_862 = arith.ori %or3A_778, %and3A_861 : vector<16xi1>
      %select_n3A_863 = arith.select %or3A_862, %broadcast_in_dim3A_5, %add3A_858 : vector<16xi1>, vector<16xf32>
      %min3A = arith.minimumf %broadcast_in_dim3A_5, %select_n3A_863 : vector<16xf32>
      %gather3A_864 = tpu.vector_load_idx %arg13[%gather3A_48] : memref<4096xf32, #tpu.memory_space<vmem>>[vector<16xi32>], vector<16xf32>,
      %sub3A_865 = arith.subf %gather3A_864, %gather3A_831 : vector<16xf32>
      %gather3A_866 = tpu.vector_load_idx %arg14[%gather3A_48] : memref<4096xf32, #tpu.memory_space<vmem>>[vector<16xi32>], vector<16xf32>,
      %sub3A_867 = arith.subf %gather3A_866, %gather3A_832 : vector<16xf32>
      %gather3A_868 = tpu.vector_load_idx %arg15[%gather3A_48] : memref<4096xf32, #tpu.memory_space<vmem>>[vector<16xi32>], vector<16xf32>,
      %sub3A_869 = arith.subf %gather3A_868, %gather3A_833 : vector<16xf32>
      %mul3A_870 = arith.mulf %sub3A_865, %sub3A_865 : vector<16xf32>
      %mul3A_871 = arith.mulf %sub3A_867, %sub3A_867 : vector<16xf32>
      %add3A_872 = arith.addf %mul3A_870, %mul3A_871 : vector<16xf32>
      %mul3A_873 = arith.mulf %sub3A_869, %sub3A_869 : vector<16xf32>
      %add3A_874 = arith.addf %add3A_872, %mul3A_873 : vector<16xf32>
      %mul3A_875 = arith.mulf %sub3A_834, %sub3A_865 : vector<16xf32>
      %mul3A_876 = arith.mulf %sub3A_835, %sub3A_867 : vector<16xf32>
      %add3A_877 = arith.addf %mul3A_875, %mul3A_876 : vector<16xf32>
      %mul3A_878 = arith.mulf %sub3A_836, %sub3A_869 : vector<16xf32>
      %add3A_879 = arith.addf %add3A_877, %mul3A_878 : vector<16xf32>
      %mul3A_880 = arith.mulf %add3A_879, %add3A_879 : vector<16xf32>
      %div3A_881 = arith.divf %mul3A_880, %add3A_874 : vector<16xf32>
      %sub3A_882 = arith.subf %div3A_881, %add3A_879 : vector<16xf32>
      %mul3A_883 = arith.constant 2.500000e-01 : f32
      %mul3A_884 = vector.broadcast %mul3A_883 : f32 to vector<16xf32>
      %mul3A_885 = arith.mulf %add3A_874, %mul3A_884 : vector<16xf32>
      %add3A_886 = arith.addf %sub3A_882, %mul3A_885 : vector<16xf32>
      %eq3A_887 = arith.cmpf oeq, %add3A_59, %select_n3A_325 : vector<16xf32>
      %eq3A_888 = arith.cmpi eq, %gather3A_48, %select_n3A_326 : vector<16xi32>
      %and3A_889 = arith.andi %eq3A_887, %eq3A_888 : vector<16xi1>
      %or3A_890 = arith.ori %or3A_782, %and3A_889 : vector<16xi1>
      %select_n3A_891 = arith.select %or3A_890, %broadcast_in_dim3A_5, %add3A_886 : vector<16xi1>, vector<16xf32>
      %min3A_892 = arith.minimumf %min3A, %select_n3A_891 : vector<16xf32>
      %gather3A_893 = tpu.vector_load_idx %arg13[%gather3A_63] : memref<4096xf32, #tpu.memory_space<vmem>>[vector<16xi32>], vector<16xf32>,
      %sub3A_894 = arith.subf %gather3A_893, %gather3A_831 : vector<16xf32>
      %gather3A_895 = tpu.vector_load_idx %arg14[%gather3A_63] : memref<4096xf32, #tpu.memory_space<vmem>>[vector<16xi32>], vector<16xf32>,
      %sub3A_896 = arith.subf %gather3A_895, %gather3A_832 : vector<16xf32>
      %gather3A_897 = tpu.vector_load_idx %arg15[%gather3A_63] : memref<4096xf32, #tpu.memory_space<vmem>>[vector<16xi32>], vector<16xf32>,
      %sub3A_898 = arith.subf %gather3A_897, %gather3A_833 : vector<16xf32>
      %mul3A_899 = arith.mulf %sub3A_894, %sub3A_894 : vector<16xf32>
      %mul3A_900 = arith.mulf %sub3A_896, %sub3A_896 : vector<16xf32>
      %add3A_901 = arith.addf %mul3A_899, %mul3A_900 : vector<16xf32>
      %mul3A_902 = arith.mulf %sub3A_898, %sub3A_898 : vector<16xf32>
      %add3A_903 = arith.addf %add3A_901, %mul3A_902 : vector<16xf32>
      %mul3A_904 = arith.mulf %sub3A_834, %sub3A_894 : vector<16xf32>
      %mul3A_905 = arith.mulf %sub3A_835, %sub3A_896 : vector<16xf32>
      %add3A_906 = arith.addf %mul3A_904, %mul3A_905 : vector<16xf32>
      %mul3A_907 = arith.mulf %sub3A_836, %sub3A_898 : vector<16xf32>
      %add3A_908 = arith.addf %add3A_906, %mul3A_907 : vector<16xf32>
      %mul3A_909 = arith.mulf %add3A_908, %add3A_908 : vector<16xf32>
      %div3A_910 = arith.divf %mul3A_909, %add3A_903 : vector<16xf32>
      %sub3A_911 = arith.subf %div3A_910, %add3A_908 : vector<16xf32>
      %mul3A_912 = arith.constant 2.500000e-01 : f32
      %mul3A_913 = vector.broadcast %mul3A_912 : f32 to vector<16xf32>
      %mul3A_914 = arith.mulf %add3A_903, %mul3A_913 : vector<16xf32>
      %add3A_915 = arith.addf %sub3A_911, %mul3A_914 : vector<16xf32>
      %eq3A_916 = arith.cmpf oeq, %add3A_74, %select_n3A_325 : vector<16xf32>
      %eq3A_917 = arith.cmpi eq, %gather3A_63, %select_n3A_326 : vector<16xi32>
      %and3A_918 = arith.andi %eq3A_916, %eq3A_917 : vector<16xi1>
      %or3A_919 = arith.ori %or3A_786, %and3A_918 : vector<16xi1>
      %select_n3A_920 = arith.select %or3A_919, %broadcast_in_dim3A_5, %add3A_915 : vector<16xi1>, vector<16xf32>
      %min3A_921 = arith.minimumf %min3A_892, %select_n3A_920 : vector<16xf32>
      %gather3A_922 = tpu.vector_load_idx %arg13[%gather3A_78] : memref<4096xf32, #tpu.memory_space<vmem>>[vector<16xi32>], vector<16xf32>,
      %sub3A_923 = arith.subf %gather3A_922, %gather3A_831 : vector<16xf32>
      %gather3A_924 = tpu.vector_load_idx %arg14[%gather3A_78] : memref<4096xf32, #tpu.memory_space<vmem>>[vector<16xi32>], vector<16xf32>,
      %sub3A_925 = arith.subf %gather3A_924, %gather3A_832 : vector<16xf32>
      %gather3A_926 = tpu.vector_load_idx %arg15[%gather3A_78] : memref<4096xf32, #tpu.memory_space<vmem>>[vector<16xi32>], vector<16xf32>,
      %sub3A_927 = arith.subf %gather3A_926, %gather3A_833 : vector<16xf32>
      %mul3A_928 = arith.mulf %sub3A_923, %sub3A_923 : vector<16xf32>
      %mul3A_929 = arith.mulf %sub3A_925, %sub3A_925 : vector<16xf32>
      %add3A_930 = arith.addf %mul3A_928, %mul3A_929 : vector<16xf32>
      %mul3A_931 = arith.mulf %sub3A_927, %sub3A_927 : vector<16xf32>
      %add3A_932 = arith.addf %add3A_930, %mul3A_931 : vector<16xf32>
      %mul3A_933 = arith.mulf %sub3A_834, %sub3A_923 : vector<16xf32>
      %mul3A_934 = arith.mulf %sub3A_835, %sub3A_925 : vector<16xf32>
      %add3A_935 = arith.addf %mul3A_933, %mul3A_934 : vector<16xf32>
      %mul3A_936 = arith.mulf %sub3A_836, %sub3A_927 : vector<16xf32>
      %add3A_937 = arith.addf %add3A_935, %mul3A_936 : vector<16xf32>
      %mul3A_938 = arith.mulf %add3A_937, %add3A_937 : vector<16xf32>
      %div3A_939 = arith.divf %mul3A_938, %add3A_932 : vector<16xf32>
      %sub3A_940 = arith.subf %div3A_939, %add3A_937 : vector<16xf32>
      %mul3A_941 = arith.constant 2.500000e-01 : f32
      %mul3A_942 = vector.broadcast %mul3A_941 : f32 to vector<16xf32>
      %mul3A_943 = arith.mulf %add3A_932, %mul3A_942 : vector<16xf32>
      %add3A_944 = arith.addf %sub3A_940, %mul3A_943 : vector<16xf32>
      %eq3A_945 = arith.cmpf oeq, %add3A_89, %select_n3A_325 : vector<16xf32>
      %eq3A_946 = arith.cmpi eq, %gather3A_78, %select_n3A_326 : vector<16xi32>
      %and3A_947 = arith.andi %eq3A_945, %eq3A_946 : vector<16xi1>
      %or3A_948 = arith.ori %or3A_790, %and3A_947 : vector<16xi1>
      %select_n3A_949 = arith.select %or3A_948, %broadcast_in_dim3A_5, %add3A_944 : vector<16xi1>, vector<16xf32>
      %min3A_950 = arith.minimumf %min3A_921, %select_n3A_949 : vector<16xf32>
      %gather3A_951 = tpu.vector_load_idx %arg13[%gather3A_93] : memref<4096xf32, #tpu.memory_space<vmem>>[vector<16xi32>], vector<16xf32>,
      %sub3A_952 = arith.subf %gather3A_951, %gather3A_831 : vector<16xf32>
      %gather3A_953 = tpu.vector_load_idx %arg14[%gather3A_93] : memref<4096xf32, #tpu.memory_space<vmem>>[vector<16xi32>], vector<16xf32>,
      %sub3A_954 = arith.subf %gather3A_953, %gather3A_832 : vector<16xf32>
      %gather3A_955 = tpu.vector_load_idx %arg15[%gather3A_93] : memref<4096xf32, #tpu.memory_space<vmem>>[vector<16xi32>], vector<16xf32>,
      %sub3A_956 = arith.subf %gather3A_955, %gather3A_833 : vector<16xf32>
      %mul3A_957 = arith.mulf %sub3A_952, %sub3A_952 : vector<16xf32>
      %mul3A_958 = arith.mulf %sub3A_954, %sub3A_954 : vector<16xf32>
      %add3A_959 = arith.addf %mul3A_957, %mul3A_958 : vector<16xf32>
      %mul3A_960 = arith.mulf %sub3A_956, %sub3A_956 : vector<16xf32>
      %add3A_961 = arith.addf %add3A_959, %mul3A_960 : vector<16xf32>
      %mul3A_962 = arith.mulf %sub3A_834, %sub3A_952 : vector<16xf32>
      %mul3A_963 = arith.mulf %sub3A_835, %sub3A_954 : vector<16xf32>
      %add3A_964 = arith.addf %mul3A_962, %mul3A_963 : vector<16xf32>
      %mul3A_965 = arith.mulf %sub3A_836, %sub3A_956 : vector<16xf32>
      %add3A_966 = arith.addf %add3A_964, %mul3A_965 : vector<16xf32>
      %mul3A_967 = arith.mulf %add3A_966, %add3A_966 : vector<16xf32>
      %div3A_968 = arith.divf %mul3A_967, %add3A_961 : vector<16xf32>
      %sub3A_969 = arith.subf %div3A_968, %add3A_966 : vector<16xf32>
      %mul3A_970 = arith.constant 2.500000e-01 : f32
      %mul3A_971 = vector.broadcast %mul3A_970 : f32 to vector<16xf32>
      %mul3A_972 = arith.mulf %add3A_961, %mul3A_971 : vector<16xf32>
      %add3A_973 = arith.addf %sub3A_969, %mul3A_972 : vector<16xf32>
      %eq3A_974 = arith.cmpf oeq, %add3A_104, %select_n3A_325 : vector<16xf32>
      %eq3A_975 = arith.cmpi eq, %gather3A_93, %select_n3A_326 : vector<16xi32>
      %and3A_976 = arith.andi %eq3A_974, %eq3A_975 : vector<16xi1>
      %or3A_977 = arith.ori %or3A_794, %and3A_976 : vector<16xi1>
      %select_n3A_978 = arith.select %or3A_977, %broadcast_in_dim3A_5, %add3A_973 : vector<16xi1>, vector<16xf32>
      %min3A_979 = arith.minimumf %min3A_950, %select_n3A_978 : vector<16xf32>
      %gather3A_980 = tpu.vector_load_idx %arg13[%gather3A_108] : memref<4096xf32, #tpu.memory_space<vmem>>[vector<16xi32>], vector<16xf32>,
      %sub3A_981 = arith.subf %gather3A_980, %gather3A_831 : vector<16xf32>
      %gather3A_982 = tpu.vector_load_idx %arg14[%gather3A_108] : memref<4096xf32, #tpu.memory_space<vmem>>[vector<16xi32>], vector<16xf32>,
      %sub3A_983 = arith.subf %gather3A_982, %gather3A_832 : vector<16xf32>
      %gather3A_984 = tpu.vector_load_idx %arg15[%gather3A_108] : memref<4096xf32, #tpu.memory_space<vmem>>[vector<16xi32>], vector<16xf32>,
      %sub3A_985 = arith.subf %gather3A_984, %gather3A_833 : vector<16xf32>
      %mul3A_986 = arith.mulf %sub3A_981, %sub3A_981 : vector<16xf32>
      %mul3A_987 = arith.mulf %sub3A_983, %sub3A_983 : vector<16xf32>
      %add3A_988 = arith.addf %mul3A_986, %mul3A_987 : vector<16xf32>
      %mul3A_989 = arith.mulf %sub3A_985, %sub3A_985 : vector<16xf32>
      %add3A_990 = arith.addf %add3A_988, %mul3A_989 : vector<16xf32>
      %mul3A_991 = arith.mulf %sub3A_834, %sub3A_981 : vector<16xf32>
      %mul3A_992 = arith.mulf %sub3A_835, %sub3A_983 : vector<16xf32>
      %add3A_993 = arith.addf %mul3A_991, %mul3A_992 : vector<16xf32>
      %mul3A_994 = arith.mulf %sub3A_836, %sub3A_985 : vector<16xf32>
      %add3A_995 = arith.addf %add3A_993, %mul3A_994 : vector<16xf32>
      %mul3A_996 = arith.mulf %add3A_995, %add3A_995 : vector<16xf32>
      %div3A_997 = arith.divf %mul3A_996, %add3A_990 : vector<16xf32>
      %sub3A_998 = arith.subf %div3A_997, %add3A_995 : vector<16xf32>
      %mul3A_999 = arith.constant 2.500000e-01 : f32
      %mul3A_1000 = vector.broadcast %mul3A_999 : f32 to vector<16xf32>
      %mul3A_1001 = arith.mulf %add3A_990, %mul3A_1000 : vector<16xf32>
      %add3A_1002 = arith.addf %sub3A_998, %mul3A_1001 : vector<16xf32>
      %eq3A_1003 = arith.cmpf oeq, %add3A_119, %select_n3A_325 : vector<16xf32>
      %eq3A_1004 = arith.cmpi eq, %gather3A_108, %select_n3A_326 : vector<16xi32>
      %and3A_1005 = arith.andi %eq3A_1003, %eq3A_1004 : vector<16xi1>
      %or3A_1006 = arith.ori %or3A_798, %and3A_1005 : vector<16xi1>
      %select_n3A_1007 = arith.select %or3A_1006, %broadcast_in_dim3A_5, %add3A_1002 : vector<16xi1>, vector<16xf32>
      %min3A_1008 = arith.minimumf %min3A_979, %select_n3A_1007 : vector<16xf32>
      %gather3A_1009 = tpu.vector_load_idx %arg13[%gather3A_123] : memref<4096xf32, #tpu.memory_space<vmem>>[vector<16xi32>], vector<16xf32>,
      %sub3A_1010 = arith.subf %gather3A_1009, %gather3A_831 : vector<16xf32>
      %gather3A_1011 = tpu.vector_load_idx %arg14[%gather3A_123] : memref<4096xf32, #tpu.memory_space<vmem>>[vector<16xi32>], vector<16xf32>,
      %sub3A_1012 = arith.subf %gather3A_1011, %gather3A_832 : vector<16xf32>
      %gather3A_1013 = tpu.vector_load_idx %arg15[%gather3A_123] : memref<4096xf32, #tpu.memory_space<vmem>>[vector<16xi32>], vector<16xf32>,
      %sub3A_1014 = arith.subf %gather3A_1013, %gather3A_833 : vector<16xf32>
      %mul3A_1015 = arith.mulf %sub3A_1010, %sub3A_1010 : vector<16xf32>
      %mul3A_1016 = arith.mulf %sub3A_1012, %sub3A_1012 : vector<16xf32>
      %add3A_1017 = arith.addf %mul3A_1015, %mul3A_1016 : vector<16xf32>
      %mul3A_1018 = arith.mulf %sub3A_1014, %sub3A_1014 : vector<16xf32>
      %add3A_1019 = arith.addf %add3A_1017, %mul3A_1018 : vector<16xf32>
      %mul3A_1020 = arith.mulf %sub3A_834, %sub3A_1010 : vector<16xf32>
      %mul3A_1021 = arith.mulf %sub3A_835, %sub3A_1012 : vector<16xf32>
      %add3A_1022 = arith.addf %mul3A_1020, %mul3A_1021 : vector<16xf32>
      %mul3A_1023 = arith.mulf %sub3A_836, %sub3A_1014 : vector<16xf32>
      %add3A_1024 = arith.addf %add3A_1022, %mul3A_1023 : vector<16xf32>
      %mul3A_1025 = arith.mulf %add3A_1024, %add3A_1024 : vector<16xf32>
      %div3A_1026 = arith.divf %mul3A_1025, %add3A_1019 : vector<16xf32>
      %sub3A_1027 = arith.subf %div3A_1026, %add3A_1024 : vector<16xf32>
      %mul3A_1028 = arith.constant 2.500000e-01 : f32
      %mul3A_1029 = vector.broadcast %mul3A_1028 : f32 to vector<16xf32>
      %mul3A_1030 = arith.mulf %add3A_1019, %mul3A_1029 : vector<16xf32>
      %add3A_1031 = arith.addf %sub3A_1027, %mul3A_1030 : vector<16xf32>
      %eq3A_1032 = arith.cmpf oeq, %add3A_134, %select_n3A_325 : vector<16xf32>
      %eq3A_1033 = arith.cmpi eq, %gather3A_123, %select_n3A_326 : vector<16xi32>
      %and3A_1034 = arith.andi %eq3A_1032, %eq3A_1033 : vector<16xi1>
      %or3A_1035 = arith.ori %or3A_802, %and3A_1034 : vector<16xi1>
      %select_n3A_1036 = arith.select %or3A_1035, %broadcast_in_dim3A_5, %add3A_1031 : vector<16xi1>, vector<16xf32>
      %min3A_1037 = arith.minimumf %min3A_1008, %select_n3A_1036 : vector<16xf32>
      %gather3A_1038 = tpu.vector_load_idx %arg13[%gather3A_138] : memref<4096xf32, #tpu.memory_space<vmem>>[vector<16xi32>], vector<16xf32>,
      %sub3A_1039 = arith.subf %gather3A_1038, %gather3A_831 : vector<16xf32>
      %gather3A_1040 = tpu.vector_load_idx %arg14[%gather3A_138] : memref<4096xf32, #tpu.memory_space<vmem>>[vector<16xi32>], vector<16xf32>,
      %sub3A_1041 = arith.subf %gather3A_1040, %gather3A_832 : vector<16xf32>
      %gather3A_1042 = tpu.vector_load_idx %arg15[%gather3A_138] : memref<4096xf32, #tpu.memory_space<vmem>>[vector<16xi32>], vector<16xf32>,
      %sub3A_1043 = arith.subf %gather3A_1042, %gather3A_833 : vector<16xf32>
      %mul3A_1044 = arith.mulf %sub3A_1039, %sub3A_1039 : vector<16xf32>
      %mul3A_1045 = arith.mulf %sub3A_1041, %sub3A_1041 : vector<16xf32>
      %add3A_1046 = arith.addf %mul3A_1044, %mul3A_1045 : vector<16xf32>
      %mul3A_1047 = arith.mulf %sub3A_1043, %sub3A_1043 : vector<16xf32>
      %add3A_1048 = arith.addf %add3A_1046, %mul3A_1047 : vector<16xf32>
      %mul3A_1049 = arith.mulf %sub3A_834, %sub3A_1039 : vector<16xf32>
      %mul3A_1050 = arith.mulf %sub3A_835, %sub3A_1041 : vector<16xf32>
      %add3A_1051 = arith.addf %mul3A_1049, %mul3A_1050 : vector<16xf32>
      %mul3A_1052 = arith.mulf %sub3A_836, %sub3A_1043 : vector<16xf32>
      %add3A_1053 = arith.addf %add3A_1051, %mul3A_1052 : vector<16xf32>
      %mul3A_1054 = arith.mulf %add3A_1053, %add3A_1053 : vector<16xf32>
      %div3A_1055 = arith.divf %mul3A_1054, %add3A_1048 : vector<16xf32>
      %sub3A_1056 = arith.subf %div3A_1055, %add3A_1053 : vector<16xf32>
      %mul3A_1057 = arith.constant 2.500000e-01 : f32
      %mul3A_1058 = vector.broadcast %mul3A_1057 : f32 to vector<16xf32>
      %mul3A_1059 = arith.mulf %add3A_1048, %mul3A_1058 : vector<16xf32>
      %add3A_1060 = arith.addf %sub3A_1056, %mul3A_1059 : vector<16xf32>
      %eq3A_1061 = arith.cmpf oeq, %add3A_149, %select_n3A_325 : vector<16xf32>
      %eq3A_1062 = arith.cmpi eq, %gather3A_138, %select_n3A_326 : vector<16xi32>
      %and3A_1063 = arith.andi %eq3A_1061, %eq3A_1062 : vector<16xi1>
      %or3A_1064 = arith.ori %or3A_806, %and3A_1063 : vector<16xi1>
      %select_n3A_1065 = arith.select %or3A_1064, %broadcast_in_dim3A_5, %add3A_1060 : vector<16xi1>, vector<16xf32>
      %min3A_1066 = arith.minimumf %min3A_1037, %select_n3A_1065 : vector<16xf32>
      %gather3A_1067 = tpu.vector_load_idx %arg13[%gather3A_153] : memref<4096xf32, #tpu.memory_space<vmem>>[vector<16xi32>], vector<16xf32>,
      %sub3A_1068 = arith.subf %gather3A_1067, %gather3A_831 : vector<16xf32>
      %gather3A_1069 = tpu.vector_load_idx %arg14[%gather3A_153] : memref<4096xf32, #tpu.memory_space<vmem>>[vector<16xi32>], vector<16xf32>,
      %sub3A_1070 = arith.subf %gather3A_1069, %gather3A_832 : vector<16xf32>
      %gather3A_1071 = tpu.vector_load_idx %arg15[%gather3A_153] : memref<4096xf32, #tpu.memory_space<vmem>>[vector<16xi32>], vector<16xf32>,
      %sub3A_1072 = arith.subf %gather3A_1071, %gather3A_833 : vector<16xf32>
      %mul3A_1073 = arith.mulf %sub3A_1068, %sub3A_1068 : vector<16xf32>
      %mul3A_1074 = arith.mulf %sub3A_1070, %sub3A_1070 : vector<16xf32>
      %add3A_1075 = arith.addf %mul3A_1073, %mul3A_1074 : vector<16xf32>
      %mul3A_1076 = arith.mulf %sub3A_1072, %sub3A_1072 : vector<16xf32>
      %add3A_1077 = arith.addf %add3A_1075, %mul3A_1076 : vector<16xf32>
      %mul3A_1078 = arith.mulf %sub3A_834, %sub3A_1068 : vector<16xf32>
      %mul3A_1079 = arith.mulf %sub3A_835, %sub3A_1070 : vector<16xf32>
      %add3A_1080 = arith.addf %mul3A_1078, %mul3A_1079 : vector<16xf32>
      %mul3A_1081 = arith.mulf %sub3A_836, %sub3A_1072 : vector<16xf32>
      %add3A_1082 = arith.addf %add3A_1080, %mul3A_1081 : vector<16xf32>
      %mul3A_1083 = arith.mulf %add3A_1082, %add3A_1082 : vector<16xf32>
      %div3A_1084 = arith.divf %mul3A_1083, %add3A_1077 : vector<16xf32>
      %sub3A_1085 = arith.subf %div3A_1084, %add3A_1082 : vector<16xf32>
      %mul3A_1086 = arith.constant 2.500000e-01 : f32
      %mul3A_1087 = vector.broadcast %mul3A_1086 : f32 to vector<16xf32>
      %mul3A_1088 = arith.mulf %add3A_1077, %mul3A_1087 : vector<16xf32>
      %add3A_1089 = arith.addf %sub3A_1085, %mul3A_1088 : vector<16xf32>
      %eq3A_1090 = arith.cmpf oeq, %add3A_164, %select_n3A_325 : vector<16xf32>
      %eq3A_1091 = arith.cmpi eq, %gather3A_153, %select_n3A_326 : vector<16xi32>
      %and3A_1092 = arith.andi %eq3A_1090, %eq3A_1091 : vector<16xi1>
      %or3A_1093 = arith.ori %or3A_810, %and3A_1092 : vector<16xi1>
      %select_n3A_1094 = arith.select %or3A_1093, %broadcast_in_dim3A_5, %add3A_1089 : vector<16xi1>, vector<16xf32>
      %min3A_1095 = arith.minimumf %min3A_1066, %select_n3A_1094 : vector<16xf32>
      %gather3A_1096 = tpu.vector_load_idx %arg13[%gather3A_168] : memref<4096xf32, #tpu.memory_space<vmem>>[vector<16xi32>], vector<16xf32>,
      %sub3A_1097 = arith.subf %gather3A_1096, %gather3A_831 : vector<16xf32>
      %gather3A_1098 = tpu.vector_load_idx %arg14[%gather3A_168] : memref<4096xf32, #tpu.memory_space<vmem>>[vector<16xi32>], vector<16xf32>,
      %sub3A_1099 = arith.subf %gather3A_1098, %gather3A_832 : vector<16xf32>
      %gather3A_1100 = tpu.vector_load_idx %arg15[%gather3A_168] : memref<4096xf32, #tpu.memory_space<vmem>>[vector<16xi32>], vector<16xf32>,
      %sub3A_1101 = arith.subf %gather3A_1100, %gather3A_833 : vector<16xf32>
      %mul3A_1102 = arith.mulf %sub3A_1097, %sub3A_1097 : vector<16xf32>
      %mul3A_1103 = arith.mulf %sub3A_1099, %sub3A_1099 : vector<16xf32>
      %add3A_1104 = arith.addf %mul3A_1102, %mul3A_1103 : vector<16xf32>
      %mul3A_1105 = arith.mulf %sub3A_1101, %sub3A_1101 : vector<16xf32>
      %add3A_1106 = arith.addf %add3A_1104, %mul3A_1105 : vector<16xf32>
      %mul3A_1107 = arith.mulf %sub3A_834, %sub3A_1097 : vector<16xf32>
      %mul3A_1108 = arith.mulf %sub3A_835, %sub3A_1099 : vector<16xf32>
      %add3A_1109 = arith.addf %mul3A_1107, %mul3A_1108 : vector<16xf32>
      %mul3A_1110 = arith.mulf %sub3A_836, %sub3A_1101 : vector<16xf32>
      %add3A_1111 = arith.addf %add3A_1109, %mul3A_1110 : vector<16xf32>
      %mul3A_1112 = arith.mulf %add3A_1111, %add3A_1111 : vector<16xf32>
      %div3A_1113 = arith.divf %mul3A_1112, %add3A_1106 : vector<16xf32>
      %sub3A_1114 = arith.subf %div3A_1113, %add3A_1111 : vector<16xf32>
      %mul3A_1115 = arith.constant 2.500000e-01 : f32
      %mul3A_1116 = vector.broadcast %mul3A_1115 : f32 to vector<16xf32>
      %mul3A_1117 = arith.mulf %add3A_1106, %mul3A_1116 : vector<16xf32>
      %add3A_1118 = arith.addf %sub3A_1114, %mul3A_1117 : vector<16xf32>
      %eq3A_1119 = arith.cmpf oeq, %add3A_179, %select_n3A_325 : vector<16xf32>
      %eq3A_1120 = arith.cmpi eq, %gather3A_168, %select_n3A_326 : vector<16xi32>
      %and3A_1121 = arith.andi %eq3A_1119, %eq3A_1120 : vector<16xi1>
      %or3A_1122 = arith.ori %or3A_814, %and3A_1121 : vector<16xi1>
      %select_n3A_1123 = arith.select %or3A_1122, %broadcast_in_dim3A_5, %add3A_1118 : vector<16xi1>, vector<16xf32>
      %min3A_1124 = arith.minimumf %min3A_1095, %select_n3A_1123 : vector<16xf32>
      %gather3A_1125 = tpu.vector_load_idx %arg13[%gather3A_183] : memref<4096xf32, #tpu.memory_space<vmem>>[vector<16xi32>], vector<16xf32>,
      %sub3A_1126 = arith.subf %gather3A_1125, %gather3A_831 : vector<16xf32>
      %gather3A_1127 = tpu.vector_load_idx %arg14[%gather3A_183] : memref<4096xf32, #tpu.memory_space<vmem>>[vector<16xi32>], vector<16xf32>,
      %sub3A_1128 = arith.subf %gather3A_1127, %gather3A_832 : vector<16xf32>
      %gather3A_1129 = tpu.vector_load_idx %arg15[%gather3A_183] : memref<4096xf32, #tpu.memory_space<vmem>>[vector<16xi32>], vector<16xf32>,
      %sub3A_1130 = arith.subf %gather3A_1129, %gather3A_833 : vector<16xf32>
      %mul3A_1131 = arith.mulf %sub3A_1126, %sub3A_1126 : vector<16xf32>
      %mul3A_1132 = arith.mulf %sub3A_1128, %sub3A_1128 : vector<16xf32>
      %add3A_1133 = arith.addf %mul3A_1131, %mul3A_1132 : vector<16xf32>
      %mul3A_1134 = arith.mulf %sub3A_1130, %sub3A_1130 : vector<16xf32>
      %add3A_1135 = arith.addf %add3A_1133, %mul3A_1134 : vector<16xf32>
      %mul3A_1136 = arith.mulf %sub3A_834, %sub3A_1126 : vector<16xf32>
      %mul3A_1137 = arith.mulf %sub3A_835, %sub3A_1128 : vector<16xf32>
      %add3A_1138 = arith.addf %mul3A_1136, %mul3A_1137 : vector<16xf32>
      %mul3A_1139 = arith.mulf %sub3A_836, %sub3A_1130 : vector<16xf32>
      %add3A_1140 = arith.addf %add3A_1138, %mul3A_1139 : vector<16xf32>
      %mul3A_1141 = arith.mulf %add3A_1140, %add3A_1140 : vector<16xf32>
      %div3A_1142 = arith.divf %mul3A_1141, %add3A_1135 : vector<16xf32>
      %sub3A_1143 = arith.subf %div3A_1142, %add3A_1140 : vector<16xf32>
      %mul3A_1144 = arith.constant 2.500000e-01 : f32
      %mul3A_1145 = vector.broadcast %mul3A_1144 : f32 to vector<16xf32>
      %mul3A_1146 = arith.mulf %add3A_1135, %mul3A_1145 : vector<16xf32>
      %add3A_1147 = arith.addf %sub3A_1143, %mul3A_1146 : vector<16xf32>
      %eq3A_1148 = arith.cmpf oeq, %add3A_194, %select_n3A_325 : vector<16xf32>
      %eq3A_1149 = arith.cmpi eq, %gather3A_183, %select_n3A_326 : vector<16xi32>
      %and3A_1150 = arith.andi %eq3A_1148, %eq3A_1149 : vector<16xi1>
      %or3A_1151 = arith.ori %or3A_818, %and3A_1150 : vector<16xi1>
      %select_n3A_1152 = arith.select %or3A_1151, %broadcast_in_dim3A_5, %add3A_1147 : vector<16xi1>, vector<16xf32>
      %min3A_1153 = arith.minimumf %min3A_1124, %select_n3A_1152 : vector<16xf32>
      %gather3A_1154 = tpu.vector_load_idx %arg13[%gather3A_198] : memref<4096xf32, #tpu.memory_space<vmem>>[vector<16xi32>], vector<16xf32>,
      %sub3A_1155 = arith.subf %gather3A_1154, %gather3A_831 : vector<16xf32>
      %gather3A_1156 = tpu.vector_load_idx %arg14[%gather3A_198] : memref<4096xf32, #tpu.memory_space<vmem>>[vector<16xi32>], vector<16xf32>,
      %sub3A_1157 = arith.subf %gather3A_1156, %gather3A_832 : vector<16xf32>
      %gather3A_1158 = tpu.vector_load_idx %arg15[%gather3A_198] : memref<4096xf32, #tpu.memory_space<vmem>>[vector<16xi32>], vector<16xf32>,
      %sub3A_1159 = arith.subf %gather3A_1158, %gather3A_833 : vector<16xf32>
      %mul3A_1160 = arith.mulf %sub3A_1155, %sub3A_1155 : vector<16xf32>
      %mul3A_1161 = arith.mulf %sub3A_1157, %sub3A_1157 : vector<16xf32>
      %add3A_1162 = arith.addf %mul3A_1160, %mul3A_1161 : vector<16xf32>
      %mul3A_1163 = arith.mulf %sub3A_1159, %sub3A_1159 : vector<16xf32>
      %add3A_1164 = arith.addf %add3A_1162, %mul3A_1163 : vector<16xf32>
      %mul3A_1165 = arith.mulf %sub3A_834, %sub3A_1155 : vector<16xf32>
      %mul3A_1166 = arith.mulf %sub3A_835, %sub3A_1157 : vector<16xf32>
      %add3A_1167 = arith.addf %mul3A_1165, %mul3A_1166 : vector<16xf32>
      %mul3A_1168 = arith.mulf %sub3A_836, %sub3A_1159 : vector<16xf32>
      %add3A_1169 = arith.addf %add3A_1167, %mul3A_1168 : vector<16xf32>
      %mul3A_1170 = arith.mulf %add3A_1169, %add3A_1169 : vector<16xf32>
      %div3A_1171 = arith.divf %mul3A_1170, %add3A_1164 : vector<16xf32>
      %sub3A_1172 = arith.subf %div3A_1171, %add3A_1169 : vector<16xf32>
      %mul3A_1173 = arith.constant 2.500000e-01 : f32
      %mul3A_1174 = vector.broadcast %mul3A_1173 : f32 to vector<16xf32>
      %mul3A_1175 = arith.mulf %add3A_1164, %mul3A_1174 : vector<16xf32>
      %add3A_1176 = arith.addf %sub3A_1172, %mul3A_1175 : vector<16xf32>
      %eq3A_1177 = arith.cmpf oeq, %add3A_209, %select_n3A_325 : vector<16xf32>
      %eq3A_1178 = arith.cmpi eq, %gather3A_198, %select_n3A_326 : vector<16xi32>
      %and3A_1179 = arith.andi %eq3A_1177, %eq3A_1178 : vector<16xi1>
      %or3A_1180 = arith.ori %or3A_822, %and3A_1179 : vector<16xi1>
      %select_n3A_1181 = arith.select %or3A_1180, %broadcast_in_dim3A_5, %add3A_1176 : vector<16xi1>, vector<16xf32>
      %min3A_1182 = arith.minimumf %min3A_1153, %select_n3A_1181 : vector<16xf32>
      %gather3A_1183 = tpu.vector_load_idx %arg13[%gather3A_213] : memref<4096xf32, #tpu.memory_space<vmem>>[vector<16xi32>], vector<16xf32>,
      %sub3A_1184 = arith.subf %gather3A_1183, %gather3A_831 : vector<16xf32>
      %gather3A_1185 = tpu.vector_load_idx %arg14[%gather3A_213] : memref<4096xf32, #tpu.memory_space<vmem>>[vector<16xi32>], vector<16xf32>,
      %sub3A_1186 = arith.subf %gather3A_1185, %gather3A_832 : vector<16xf32>
      %gather3A_1187 = tpu.vector_load_idx %arg15[%gather3A_213] : memref<4096xf32, #tpu.memory_space<vmem>>[vector<16xi32>], vector<16xf32>,
      %sub3A_1188 = arith.subf %gather3A_1187, %gather3A_833 : vector<16xf32>
      %mul3A_1189 = arith.mulf %sub3A_1184, %sub3A_1184 : vector<16xf32>
      %mul3A_1190 = arith.mulf %sub3A_1186, %sub3A_1186 : vector<16xf32>
      %add3A_1191 = arith.addf %mul3A_1189, %mul3A_1190 : vector<16xf32>
      %mul3A_1192 = arith.mulf %sub3A_1188, %sub3A_1188 : vector<16xf32>
      %add3A_1193 = arith.addf %add3A_1191, %mul3A_1192 : vector<16xf32>
      %mul3A_1194 = arith.mulf %sub3A_834, %sub3A_1184 : vector<16xf32>
      %mul3A_1195 = arith.mulf %sub3A_835, %sub3A_1186 : vector<16xf32>
      %add3A_1196 = arith.addf %mul3A_1194, %mul3A_1195 : vector<16xf32>
      %mul3A_1197 = arith.mulf %sub3A_836, %sub3A_1188 : vector<16xf32>
      %add3A_1198 = arith.addf %add3A_1196, %mul3A_1197 : vector<16xf32>
      %mul3A_1199 = arith.mulf %add3A_1198, %add3A_1198 : vector<16xf32>
      %div3A_1200 = arith.divf %mul3A_1199, %add3A_1193 : vector<16xf32>
      %sub3A_1201 = arith.subf %div3A_1200, %add3A_1198 : vector<16xf32>
      %mul3A_1202 = arith.constant 2.500000e-01 : f32
      %mul3A_1203 = vector.broadcast %mul3A_1202 : f32 to vector<16xf32>
      %mul3A_1204 = arith.mulf %add3A_1193, %mul3A_1203 : vector<16xf32>
      %add3A_1205 = arith.addf %sub3A_1201, %mul3A_1204 : vector<16xf32>
      %eq3A_1206 = arith.cmpf oeq, %add3A_224, %select_n3A_325 : vector<16xf32>
      %eq3A_1207 = arith.cmpi eq, %gather3A_213, %select_n3A_326 : vector<16xi32>
      %and3A_1208 = arith.andi %eq3A_1206, %eq3A_1207 : vector<16xi1>
      %or3A_1209 = arith.ori %or3A_826, %and3A_1208 : vector<16xi1>
      %select_n3A_1210 = arith.select %or3A_1209, %broadcast_in_dim3A_5, %add3A_1205 : vector<16xi1>, vector<16xf32>
      %min3A_1211 = arith.minimumf %min3A_1182, %select_n3A_1210 : vector<16xf32>
      %gather3A_1212 = tpu.vector_load_idx %arg13[%gather3A_228] : memref<4096xf32, #tpu.memory_space<vmem>>[vector<16xi32>], vector<16xf32>,
      %sub3A_1213 = arith.subf %gather3A_1212, %gather3A_831 : vector<16xf32>
      %gather3A_1214 = tpu.vector_load_idx %arg14[%gather3A_228] : memref<4096xf32, #tpu.memory_space<vmem>>[vector<16xi32>], vector<16xf32>,
      %sub3A_1215 = arith.subf %gather3A_1214, %gather3A_832 : vector<16xf32>
      %gather3A_1216 = tpu.vector_load_idx %arg15[%gather3A_228] : memref<4096xf32, #tpu.memory_space<vmem>>[vector<16xi32>], vector<16xf32>,
      %sub3A_1217 = arith.subf %gather3A_1216, %gather3A_833 : vector<16xf32>
      %mul3A_1218 = arith.mulf %sub3A_1213, %sub3A_1213 : vector<16xf32>
      %mul3A_1219 = arith.mulf %sub3A_1215, %sub3A_1215 : vector<16xf32>
      %add3A_1220 = arith.addf %mul3A_1218, %mul3A_1219 : vector<16xf32>
      %mul3A_1221 = arith.mulf %sub3A_1217, %sub3A_1217 : vector<16xf32>
      %add3A_1222 = arith.addf %add3A_1220, %mul3A_1221 : vector<16xf32>
      %mul3A_1223 = arith.mulf %sub3A_834, %sub3A_1213 : vector<16xf32>
      %mul3A_1224 = arith.mulf %sub3A_835, %sub3A_1215 : vector<16xf32>
      %add3A_1225 = arith.addf %mul3A_1223, %mul3A_1224 : vector<16xf32>
      %mul3A_1226 = arith.mulf %sub3A_836, %sub3A_1217 : vector<16xf32>
      %add3A_1227 = arith.addf %add3A_1225, %mul3A_1226 : vector<16xf32>
      %mul3A_1228 = arith.mulf %add3A_1227, %add3A_1227 : vector<16xf32>
      %div3A_1229 = arith.divf %mul3A_1228, %add3A_1222 : vector<16xf32>
      %sub3A_1230 = arith.subf %div3A_1229, %add3A_1227 : vector<16xf32>
      %mul3A_1231 = arith.constant 2.500000e-01 : f32
      %mul3A_1232 = vector.broadcast %mul3A_1231 : f32 to vector<16xf32>
      %mul3A_1233 = arith.mulf %add3A_1222, %mul3A_1232 : vector<16xf32>
      %add3A_1234 = arith.addf %sub3A_1230, %mul3A_1233 : vector<16xf32>
      %eq3A_1235 = arith.cmpf oeq, %add3A_239, %select_n3A_325 : vector<16xf32>
      %eq3A_1236 = arith.cmpi eq, %gather3A_228, %select_n3A_326 : vector<16xi32>
      %and3A_1237 = arith.andi %eq3A_1235, %eq3A_1236 : vector<16xi1>
      %or3A_1238 = arith.ori %or3A_830, %and3A_1237 : vector<16xi1>
      %select_n3A_1239 = arith.select %or3A_1238, %broadcast_in_dim3A_5, %add3A_1234 : vector<16xi1>, vector<16xf32>
      %min3A_1240 = arith.minimumf %min3A_1211, %select_n3A_1239 : vector<16xf32>
      %swap3A = arith.index_cast %mul3A_19 : i32 to index
      %swap3A_1241 = tpu.vector_load %arg17[%swap3A] {strides = array<i32>} : memref<512xf32, #tpu.memory_space<vmem>>, vector<16xf32>,
      tpu.vector_store %arg17[%swap3A], %min3A_1240 {strides = array<i32>} : memref<512xf32, #tpu.memory_space<vmem>>, vector<16xf32>,
      %scan3A_1242 = arith.constant 0 : i32
      scf.yield %scan3A_1242 : i32
    }
    %scan3A_15 = arith.constant 32 : i32
    "tpu.region"() ({
      %run_scoped3A = tpu.sem_alloc : memref<!tpu.dma_semaphore, #tpu.memory_space<semaphore_mem>>
      %dma_start3A = tpu.memref_slice %arg9[%mul3A_2] : memref<16384xf32, #tpu.memory_space<hbm>> -> memref<512xf32, #tpu.memory_space<hbm>>
      %dma_start3A_16 = tpu.memref_slice %arg9[%mul3A_2] : memref<16384xf32, #tpu.memory_space<hbm>> -> memref<512xf32, #tpu.memory_space<hbm>>
      tpu.enqueue_dma source(%arg17 : memref<512xf32, #tpu.memory_space<vmem>>) target(%dma_start3A_16 : memref<512xf32, #tpu.memory_space<hbm>>) target_semaphore(%run_scoped3A : memref<!tpu.dma_semaphore, #tpu.memory_space<semaphore_mem>>)
      %dma_wait3A = tpu.memref_slice %arg9[%mul3A_2] : memref<16384xf32, #tpu.memory_space<hbm>> -> memref<512xf32, #tpu.memory_space<hbm>>
      %dma_wait3A_17 = tpu.memref_slice %arg9[%mul3A_2] : memref<16384xf32, #tpu.memory_space<hbm>> -> memref<512xf32, #tpu.memory_space<hbm>>
      tpu.wait_dma2 semaphore(%run_scoped3A : memref<!tpu.dma_semaphore, #tpu.memory_space<semaphore_mem>>) src(%arg17 : memref<512xf32, #tpu.memory_space<vmem>>) dst(%dma_wait3A_17 : memref<512xf32, #tpu.memory_space<hbm>>)
      tpu.yield
    }) : () -> ()
    return
  }
}

module attributes {stable_mosaic.version = 14 : i64} {
  func.func @_cand_kernel(%arg0: i32, %arg1: memref<256x3xf32, #tpu.memory_space<vmem>>, %arg2: memref<3x4096xf32, #tpu.memory_space<vmem>>, %arg3: memref<256x16xi32, #tpu.memory_space<vmem>>) attributes {dimension_semantics = [#tpu.dimension_semantics<arbitrary>], iteration_bounds = array<i64: 64>, scalar_prefetch = 0 : i64, scratch_operands = 0 : i64, tpu.core_type = #tpu.core_type<tc>, window_params = [{transform_indices = @transform_0, window_bounds = array<i64: 256, 3>}, {pipeline_mode = #tpu.pipeline_mode<synchronous>, transform_indices = @transform_1, window_bounds = array<i64: 3, 4096>}, {transform_indices = @transform_2, window_bounds = array<i64: 256, 16>}]} {
    %get3A = arith.constant 0 : index
    %get3A_0 = arith.constant 0 : index
    %get3A_1 = vector.load %arg1[%get3A, %get3A_0] : memref<256x3xf32, #tpu.memory_space<vmem>>, vector<256x3xf32>
    %get3A_2 = arith.constant 0 : index
    %get3A_3 = arith.constant 0 : index
    %get3A_4 = vector.load %arg2[%get3A_2, %get3A_3] : memref<3x4096xf32, #tpu.memory_space<vmem>>, vector<3x4096xf32>
    %mul3A = arith.mulf %get3A_4, %get3A_4 : vector<3x4096xf32>
    %reduce_sum3A = arith.constant dense<0.000000e+00> : vector<4096xf32>
    %reduce_sum3A_5 = vector.multi_reduction <add>, %mul3A, %reduce_sum3A [0] : vector<3x4096xf32> to vector<4096xf32>
    %broadcast_in_dim3A = vector.shape_cast %reduce_sum3A_5 : vector<4096xf32> to vector<1x4096xf32>
    %mul3A_6 = arith.mulf %get3A_1, %get3A_1 : vector<256x3xf32>
    %reduce_sum3A_7 = arith.constant dense<0.000000e+00> : vector<256xf32>
    %reduce_sum3A_8 = vector.multi_reduction <add>, %mul3A_6, %reduce_sum3A_7 [1] : vector<256x3xf32> to vector<256xf32>
    %broadcast_in_dim3A_9 = vector.shape_cast %reduce_sum3A_8 : vector<256xf32> to vector<256x1xf32>
    %add3A = vector.broadcast %broadcast_in_dim3A_9 : vector<256x1xf32> to vector<256x4096xf32>
    %add3A_10 = vector.broadcast %broadcast_in_dim3A : vector<1x4096xf32> to vector<256x4096xf32>
    %add3A_11 = arith.addf %add3A, %add3A_10 : vector<256x4096xf32>
    %dot_general3A = arith.constant dense<0.000000e+00> : vector<256x4096xf32>
    %dot_general3A_12 = tpu.matmul %get3A_1, %get3A_4, %dot_general3A {dimension_numbers = #tpu.dot_dimension_numbers<[1], [0], [0], [1], [0, 0, 1, 1], [], []>, precision = #tpu.contract_precision<fp32>, transpose_lhs_hint = false} : vector<256x3xf32>, vector<3x4096xf32>, vector<256x4096xf32> -> vector<256x4096xf32>
    %mul3A_13 = arith.constant 2.000000e+00 : f32
    %mul3A_14 = vector.broadcast %mul3A_13 : f32 to vector<256x4096xf32>
    %mul3A_15 = arith.mulf %mul3A_14, %dot_general3A_12 : vector<256x4096xf32>
    %sub3A = arith.subf %add3A_11, %mul3A_15 : vector<256x4096xf32>
    %iota3A = tpu.iota {dimensions = array<i32: 1>} : vector<256x4096xi32>
    %bitcast_convert_type3A = tpu.bitcast %sub3A : vector<256x4096xf32> -> vector<256x4096xi32>
    %and3A = arith.constant -4096 : i32
    %and3A_16 = vector.broadcast %and3A : i32 to vector<256x4096xi32>
    %and3A_17 = arith.andi %bitcast_convert_type3A, %and3A_16 : vector<256x4096xi32>
    %or3A = arith.ori %and3A_17, %iota3A : vector<256x4096xi32>
    %bitcast_convert_type3A_18 = tpu.bitcast %or3A : vector<256x4096xi32> -> vector<256x4096xf32>
    %reduce_min3A = arith.constant dense<0x7F800000> : vector<256xf32>
    %reduce_min3A_19 = vector.multi_reduction <minimumf>, %bitcast_convert_type3A_18, %reduce_min3A [1] : vector<256x4096xf32> to vector<256xf32>
    %broadcast_in_dim3A_20 = vector.shape_cast %reduce_min3A_19 : vector<256xf32> to vector<256x1xf32>
    %le3A = vector.broadcast %broadcast_in_dim3A_20 : vector<256x1xf32> to vector<256x4096xf32>
    %le3A_21 = arith.cmpf ole, %bitcast_convert_type3A_18, %le3A : vector<256x4096xf32>
    %jit3A = arith.constant 0x7F800000 : f32
    %broadcast_in_dim3A_22 = vector.broadcast %jit3A : f32 to vector<256x4096xf32>
    %select_n3A = arith.select %le3A_21, %broadcast_in_dim3A_22, %bitcast_convert_type3A_18 : vector<256x4096xi1>, vector<256x4096xf32>
    %reduce_min3A_23 = arith.constant dense<0x7F800000> : vector<256xf32>
    %reduce_min3A_24 = vector.multi_reduction <minimumf>, %select_n3A, %reduce_min3A_23 [1] : vector<256x4096xf32> to vector<256xf32>
    %broadcast_in_dim3A_25 = vector.shape_cast %reduce_min3A_24 : vector<256xf32> to vector<256x1xf32>
    %le3A_26 = vector.broadcast %broadcast_in_dim3A_25 : vector<256x1xf32> to vector<256x4096xf32>
    %le3A_27 = arith.cmpf ole, %select_n3A, %le3A_26 : vector<256x4096xf32>
    %jit3A_28 = arith.constant 0x7F800000 : f32
    %broadcast_in_dim3A_29 = vector.broadcast %jit3A_28 : f32 to vector<256x4096xf32>
    %select_n3A_30 = arith.select %le3A_27, %broadcast_in_dim3A_29, %select_n3A : vector<256x4096xi1>, vector<256x4096xf32>
    %reduce_min3A_31 = arith.constant dense<0x7F800000> : vector<256xf32>
    %reduce_min3A_32 = vector.multi_reduction <minimumf>, %select_n3A_30, %reduce_min3A_31 [1] : vector<256x4096xf32> to vector<256xf32>
    %broadcast_in_dim3A_33 = vector.shape_cast %reduce_min3A_32 : vector<256xf32> to vector<256x1xf32>
    %le3A_34 = vector.broadcast %broadcast_in_dim3A_33 : vector<256x1xf32> to vector<256x4096xf32>
    %le3A_35 = arith.cmpf ole, %select_n3A_30, %le3A_34 : vector<256x4096xf32>
    %jit3A_36 = arith.constant 0x7F800000 : f32
    %broadcast_in_dim3A_37 = vector.broadcast %jit3A_36 : f32 to vector<256x4096xf32>
    %select_n3A_38 = arith.select %le3A_35, %broadcast_in_dim3A_37, %select_n3A_30 : vector<256x4096xi1>, vector<256x4096xf32>
    %reduce_min3A_39 = arith.constant dense<0x7F800000> : vector<256xf32>
    %reduce_min3A_40 = vector.multi_reduction <minimumf>, %select_n3A_38, %reduce_min3A_39 [1] : vector<256x4096xf32> to vector<256xf32>
    %broadcast_in_dim3A_41 = vector.shape_cast %reduce_min3A_40 : vector<256xf32> to vector<256x1xf32>
    %le3A_42 = vector.broadcast %broadcast_in_dim3A_41 : vector<256x1xf32> to vector<256x4096xf32>
    %le3A_43 = arith.cmpf ole, %select_n3A_38, %le3A_42 : vector<256x4096xf32>
    %jit3A_44 = arith.constant 0x7F800000 : f32
    %broadcast_in_dim3A_45 = vector.broadcast %jit3A_44 : f32 to vector<256x4096xf32>
    %select_n3A_46 = arith.select %le3A_43, %broadcast_in_dim3A_45, %select_n3A_38 : vector<256x4096xi1>, vector<256x4096xf32>
    %reduce_min3A_47 = arith.constant dense<0x7F800000> : vector<256xf32>
    %reduce_min3A_48 = vector.multi_reduction <minimumf>, %select_n3A_46, %reduce_min3A_47 [1] : vector<256x4096xf32> to vector<256xf32>
    %broadcast_in_dim3A_49 = vector.shape_cast %reduce_min3A_48 : vector<256xf32> to vector<256x1xf32>
    %le3A_50 = vector.broadcast %broadcast_in_dim3A_49 : vector<256x1xf32> to vector<256x4096xf32>
    %le3A_51 = arith.cmpf ole, %select_n3A_46, %le3A_50 : vector<256x4096xf32>
    %jit3A_52 = arith.constant 0x7F800000 : f32
    %broadcast_in_dim3A_53 = vector.broadcast %jit3A_52 : f32 to vector<256x4096xf32>
    %select_n3A_54 = arith.select %le3A_51, %broadcast_in_dim3A_53, %select_n3A_46 : vector<256x4096xi1>, vector<256x4096xf32>
    %reduce_min3A_55 = arith.constant dense<0x7F800000> : vector<256xf32>
    %reduce_min3A_56 = vector.multi_reduction <minimumf>, %select_n3A_54, %reduce_min3A_55 [1] : vector<256x4096xf32> to vector<256xf32>
    %broadcast_in_dim3A_57 = vector.shape_cast %reduce_min3A_56 : vector<256xf32> to vector<256x1xf32>
    %le3A_58 = vector.broadcast %broadcast_in_dim3A_57 : vector<256x1xf32> to vector<256x4096xf32>
    %le3A_59 = arith.cmpf ole, %select_n3A_54, %le3A_58 : vector<256x4096xf32>
    %jit3A_60 = arith.constant 0x7F800000 : f32
    %broadcast_in_dim3A_61 = vector.broadcast %jit3A_60 : f32 to vector<256x4096xf32>
    %select_n3A_62 = arith.select %le3A_59, %broadcast_in_dim3A_61, %select_n3A_54 : vector<256x4096xi1>, vector<256x4096xf32>
    %reduce_min3A_63 = arith.constant dense<0x7F800000> : vector<256xf32>
    %reduce_min3A_64 = vector.multi_reduction <minimumf>, %select_n3A_62, %reduce_min3A_63 [1] : vector<256x4096xf32> to vector<256xf32>
    %broadcast_in_dim3A_65 = vector.shape_cast %reduce_min3A_64 : vector<256xf32> to vector<256x1xf32>
    %le3A_66 = vector.broadcast %broadcast_in_dim3A_65 : vector<256x1xf32> to vector<256x4096xf32>
    %le3A_67 = arith.cmpf ole, %select_n3A_62, %le3A_66 : vector<256x4096xf32>
    %jit3A_68 = arith.constant 0x7F800000 : f32
    %broadcast_in_dim3A_69 = vector.broadcast %jit3A_68 : f32 to vector<256x4096xf32>
    %select_n3A_70 = arith.select %le3A_67, %broadcast_in_dim3A_69, %select_n3A_62 : vector<256x4096xi1>, vector<256x4096xf32>
    %reduce_min3A_71 = arith.constant dense<0x7F800000> : vector<256xf32>
    %reduce_min3A_72 = vector.multi_reduction <minimumf>, %select_n3A_70, %reduce_min3A_71 [1] : vector<256x4096xf32> to vector<256xf32>
    %broadcast_in_dim3A_73 = vector.shape_cast %reduce_min3A_72 : vector<256xf32> to vector<256x1xf32>
    %le3A_74 = vector.broadcast %broadcast_in_dim3A_73 : vector<256x1xf32> to vector<256x4096xf32>
    %le3A_75 = arith.cmpf ole, %select_n3A_70, %le3A_74 : vector<256x4096xf32>
    %jit3A_76 = arith.constant 0x7F800000 : f32
    %broadcast_in_dim3A_77 = vector.broadcast %jit3A_76 : f32 to vector<256x4096xf32>
    %select_n3A_78 = arith.select %le3A_75, %broadcast_in_dim3A_77, %select_n3A_70 : vector<256x4096xi1>, vector<256x4096xf32>
    %reduce_min3A_79 = arith.constant dense<0x7F800000> : vector<256xf32>
    %reduce_min3A_80 = vector.multi_reduction <minimumf>, %select_n3A_78, %reduce_min3A_79 [1] : vector<256x4096xf32> to vector<256xf32>
    %broadcast_in_dim3A_81 = vector.shape_cast %reduce_min3A_80 : vector<256xf32> to vector<256x1xf32>
    %le3A_82 = vector.broadcast %broadcast_in_dim3A_81 : vector<256x1xf32> to vector<256x4096xf32>
    %le3A_83 = arith.cmpf ole, %select_n3A_78, %le3A_82 : vector<256x4096xf32>
    %jit3A_84 = arith.constant 0x7F800000 : f32
    %broadcast_in_dim3A_85 = vector.broadcast %jit3A_84 : f32 to vector<256x4096xf32>
    %select_n3A_86 = arith.select %le3A_83, %broadcast_in_dim3A_85, %select_n3A_78 : vector<256x4096xi1>, vector<256x4096xf32>
    %reduce_min3A_87 = arith.constant dense<0x7F800000> : vector<256xf32>
    %reduce_min3A_88 = vector.multi_reduction <minimumf>, %select_n3A_86, %reduce_min3A_87 [1] : vector<256x4096xf32> to vector<256xf32>
    %broadcast_in_dim3A_89 = vector.shape_cast %reduce_min3A_88 : vector<256xf32> to vector<256x1xf32>
    %le3A_90 = vector.broadcast %broadcast_in_dim3A_89 : vector<256x1xf32> to vector<256x4096xf32>
    %le3A_91 = arith.cmpf ole, %select_n3A_86, %le3A_90 : vector<256x4096xf32>
    %jit3A_92 = arith.constant 0x7F800000 : f32
    %broadcast_in_dim3A_93 = vector.broadcast %jit3A_92 : f32 to vector<256x4096xf32>
    %select_n3A_94 = arith.select %le3A_91, %broadcast_in_dim3A_93, %select_n3A_86 : vector<256x4096xi1>, vector<256x4096xf32>
    %reduce_min3A_95 = arith.constant dense<0x7F800000> : vector<256xf32>
    %reduce_min3A_96 = vector.multi_reduction <minimumf>, %select_n3A_94, %reduce_min3A_95 [1] : vector<256x4096xf32> to vector<256xf32>
    %broadcast_in_dim3A_97 = vector.shape_cast %reduce_min3A_96 : vector<256xf32> to vector<256x1xf32>
    %le3A_98 = vector.broadcast %broadcast_in_dim3A_97 : vector<256x1xf32> to vector<256x4096xf32>
    %le3A_99 = arith.cmpf ole, %select_n3A_94, %le3A_98 : vector<256x4096xf32>
    %jit3A_100 = arith.constant 0x7F800000 : f32
    %broadcast_in_dim3A_101 = vector.broadcast %jit3A_100 : f32 to vector<256x4096xf32>
    %select_n3A_102 = arith.select %le3A_99, %broadcast_in_dim3A_101, %select_n3A_94 : vector<256x4096xi1>, vector<256x4096xf32>
    %reduce_min3A_103 = arith.constant dense<0x7F800000> : vector<256xf32>
    %reduce_min3A_104 = vector.multi_reduction <minimumf>, %select_n3A_102, %reduce_min3A_103 [1] : vector<256x4096xf32> to vector<256xf32>
    %broadcast_in_dim3A_105 = vector.shape_cast %reduce_min3A_104 : vector<256xf32> to vector<256x1xf32>
    %le3A_106 = vector.broadcast %broadcast_in_dim3A_105 : vector<256x1xf32> to vector<256x4096xf32>
    %le3A_107 = arith.cmpf ole, %select_n3A_102, %le3A_106 : vector<256x4096xf32>
    %jit3A_108 = arith.constant 0x7F800000 : f32
    %broadcast_in_dim3A_109 = vector.broadcast %jit3A_108 : f32 to vector<256x4096xf32>
    %select_n3A_110 = arith.select %le3A_107, %broadcast_in_dim3A_109, %select_n3A_102 : vector<256x4096xi1>, vector<256x4096xf32>
    %reduce_min3A_111 = arith.constant dense<0x7F800000> : vector<256xf32>
    %reduce_min3A_112 = vector.multi_reduction <minimumf>, %select_n3A_110, %reduce_min3A_111 [1] : vector<256x4096xf32> to vector<256xf32>
    %broadcast_in_dim3A_113 = vector.shape_cast %reduce_min3A_112 : vector<256xf32> to vector<256x1xf32>
    %le3A_114 = vector.broadcast %broadcast_in_dim3A_113 : vector<256x1xf32> to vector<256x4096xf32>
    %le3A_115 = arith.cmpf ole, %select_n3A_110, %le3A_114 : vector<256x4096xf32>
    %jit3A_116 = arith.constant 0x7F800000 : f32
    %broadcast_in_dim3A_117 = vector.broadcast %jit3A_116 : f32 to vector<256x4096xf32>
    %select_n3A_118 = arith.select %le3A_115, %broadcast_in_dim3A_117, %select_n3A_110 : vector<256x4096xi1>, vector<256x4096xf32>
    %reduce_min3A_119 = arith.constant dense<0x7F800000> : vector<256xf32>
    %reduce_min3A_120 = vector.multi_reduction <minimumf>, %select_n3A_118, %reduce_min3A_119 [1] : vector<256x4096xf32> to vector<256xf32>
    %broadcast_in_dim3A_121 = vector.shape_cast %reduce_min3A_120 : vector<256xf32> to vector<256x1xf32>
    %concatenate3A = tpu.concatenate %broadcast_in_dim3A_20, %broadcast_in_dim3A_25, %broadcast_in_dim3A_33, %broadcast_in_dim3A_41, %broadcast_in_dim3A_49, %broadcast_in_dim3A_57, %broadcast_in_dim3A_65, %broadcast_in_dim3A_73, %broadcast_in_dim3A_81, %broadcast_in_dim3A_89, %broadcast_in_dim3A_97, %broadcast_in_dim3A_105, %broadcast_in_dim3A_113, %broadcast_in_dim3A_121, %broadcast_in_dim3A_20, %broadcast_in_dim3A_20 in 1 : vector<256x1xf32>, vector<256x1xf32>, vector<256x1xf32>, vector<256x1xf32>, vector<256x1xf32>, vector<256x1xf32>, vector<256x1xf32>, vector<256x1xf32>, vector<256x1xf32>, vector<256x1xf32>, vector<256x1xf32>, vector<256x1xf32>, vector<256x1xf32>, vector<256x1xf32>, vector<256x1xf32>, vector<256x1xf32> -> vector<256x16xf32>
    %bitcast_convert_type3A_122 = tpu.bitcast %concatenate3A : vector<256x16xf32> -> vector<256x16xi32>
    %and3A_123 = arith.constant 4095 : i32
    %and3A_124 = vector.broadcast %and3A_123 : i32 to vector<256x16xi32>
    %and3A_125 = arith.andi %bitcast_convert_type3A_122, %and3A_124 : vector<256x16xi32>
    %swap3A = arith.constant 0 : index
    %swap3A_126 = arith.constant 0 : index
    %swap3A_127 = vector.load %arg3[%swap3A, %swap3A_126] : memref<256x16xi32, #tpu.memory_space<vmem>>, vector<256x16xi32>
    tpu.vector_store %arg3[%swap3A, %swap3A_126], %and3A_125 {strides = array<i32>} : memref<256x16xi32, #tpu.memory_space<vmem>>, vector<256x16xi32>,
    return
  }
  func.func @transform_0(%arg0: i32) -> (i32, i32) {
    %c0_i32 = arith.constant 0 : i32
    %c0_i32_0 = arith.constant 0 : i32
    return %arg0, %c0_i32 : i32, i32
  }
  func.func @transform_1(%arg0: i32) -> (i32, i32) {
    %c0_i32 = arith.constant 0 : i32
    %c0_i32_0 = arith.constant 0 : i32
    %c0_i32_1 = arith.constant 0 : i32
    return %c0_i32, %c0_i32_0 : i32, i32
  }
  func.func @transform_2(%arg0: i32) -> (i32, i32) {
    %c0_i32 = arith.constant 0 : i32
    %c0_i32_0 = arith.constant 0 : i32
    return %arg0, %c0_i32 : i32, i32
  }
}

</mosaic_0001>

<sc_bundles>
// kernel: kernel.4.cloned.1.call-start
scs
__scs_entry_jumppad:
0x0: {  	(pc) =	sbr.rel $0x88, $3  }
0x1: {  	(tag) =	ssettag $0x0;
	lr =	simm.s32 $0x1  }
0x2: {  	[smem:$0x3F9F] =	sst lr;
	_ =	strace $0xD0000000  }
0x3: {  	_ = 	snop  }
0x4: {  	_ = 	snop  }
0x5: {  	_ = 	snop  }
0x6: {  	_ = 	snop  }
0x7: {  	_ = 	snop  }
__scs_overlays_trampoline_lowered:
0x8: {  	[smem:$0x3FAE] =	sst s0  }
0x9: {  	[smem:$0x3FAF] =	sst s1  }
0xa: {  	[smem:$0x3FB0] =	sst s2  }
0xb: {  	[smem:$0x3FB1] =	sst s3  }
0xc: {  	[smem:$0x3FB2] =	sst s4  }
0xd: {  	[smem:$0x3FB3] =	sst s5  }
0xe: {  	[smem:$0x3FB4] =	sst s6  }
0xf: {  	[smem:$0x3FB5] =	sst s7  }
0x10: {  	[smem:$0x3FB6] =	sst s8  }
0x11: {  	[smem:$0x3FB7] =	sst s9;
	s0 =	simm.s32 @!p0 $0x0  }
0x12: {  	s1 =	sld [smem:$0x3F9D];
	s0 =	simm.s32 @p0 $0x1  }
0x13: {  	[smem:$0x3FB8] =	sst s0;
	s0 =	simm.s32 @!p1 $0x0  }
0x14: {  	s2 =	sld [smem:$0x3F9C];
	s0 =	simm.s32 @p1 $0x1  }
0x15: {  	[smem:$0x3FB9] =	sst s0;
	s0 =	simm.s32 @!p2 $0x0  }
0x16: {  	s3 =	sld [smem:$0x3FDB];
	s0 =	simm.s32 @p2 $0x1  }
0x17: {  	s4 =	simm.s32 $0x1BF5;
	[smem:$0x3FBB] =	sst s0  }
0x18: {  	s0 =	sld [smem:$0x3F9E];
	_ =	swait.ge [sflag:s4], $0x0  }
0x19: {  	s7 =	sld [smem:$0x3F9F]  }
0x1a: {  	s8 =	sadd.s32 $0xFFFFE003, lr  }
0x1b: {  	s9 =	sadd.s32 $0xFFFFFEF7, lr;
	s5 =	simm.s32 $0xFFFFFFFF;
	p2 =	slt.u32 s8, $0xFFFFF086  }
0x1c: {  	p1 =	slt.u32 s9, $0xF7A;
	s5 =	simm.s32 @!p2 $0x0  }
0x1d: {  	s5 =	simm.s32 @p1 $0x1;
	p0 =	seq.s32 s7, s2  }
0x1e: {  	s7 =	smul.u32 @!p0 $0xF7A, s2;
	p2 =	seq.s32 @!p0 s5, $0x0  }
0x1f: {  	s9 =	smul.u32 $0xF7A, s1;
	s8 =	simm.s32 @!p0 $0x1BF5;
	p2 =	por !p2, p0  }
0x20: {  	[sflag:s8] =	ssyncset.s32 @!p0 $0xFFFFF086;
	s6 =	sadd.s32 @!p0 s3, s7;
	s7 =	simm.s32 @!p0 $0x108  }
0x21: {  	s3 =	sadd.s32 s3, s9;
	s6 =	sadd.s32 @!p0 $0x88, s6;
	s7 =	simm.s32 @p2 $0x1082  }
0x22: {  	[simem:s7], [sflag:s8] =	dma.local @!p0 [hbm:s6], $0xF7A  }
0x23: {  	s9 =	sor.u32 $0xD0000000, s2;
	s6 =	simm.s32 $0x108;
	_ =	swait.ge @!p0 [sflag:s8], $0x0  }
0x24: {  	s3 =	sadd.s32 $0x88, s3;
	s6 =	simm.s32 @!p1 $0x1082;
	[sflag:s4] =	ssyncset.s32 $0xFFFFF086  }
0x25: {  	[simem:s6], [sflag:s4] =	dma.local [hbm:s3], $0xF7A  }
0x26: {  	[smem:$0x3F9F] =	sst s1;
	(tag) =	ssettag s2;
	_ =	strace s9  }
0x27: {  	s1 =	sld [smem:$0x3FAF]  }
0x28: {  	s2 =	sld [smem:$0x3FB0]  }
0x29: {  	s4 =	sld [smem:$0x3FB2]  }
0x2a: {  	p0 =	seq.s32 s5, $0x0;
	s5 =	sld [smem:$0x3FB3]  }
0x2b: {  	s6 =	sld [smem:$0x3FB4]  }
0x2c: {  	s7 =	sld [smem:$0x3FB5]  }
0x2d: {  	s3 =	simm.s32 $0x108;
	s8 =	sld [smem:$0x3FB6]  }
0x2e: {  	s3 =	simm.s32 @!p0 $0x1082;
	s9 =	sld [smem:$0x3FB7]  }
0x2f: {  	lr =	sadd.s32 s0, s3;
	s0 =	sld [smem:$0x3FAE]  }
0x30: {  	s3 =	sld [smem:$0x3FB1]  }
0x31: {  	[smem:$0x3FBA] =	sst s10  }
0x32: {  	s10 =	sld [smem:$0x3FB8];
	_ =	sdelay $0x3  }
0x33: {  	p0 =	seq.s32 s10, $0x1;
	s10 =	sld [smem:$0x3FBA];
	_ =	sdelay $0x3  }
0x34: {  	[smem:$0x3FBA] =	sst s10  }
0x35: {  	s10 =	sld [smem:$0x3FB9];
	_ =	sdelay $0x3  }
0x36: {  	p1 =	seq.s32 s10, $0x1;
	s10 =	sld [smem:$0x3FBA];
	_ =	sdelay $0x3  }
0x37: {  	[smem:$0x3FBA] =	sst s10  }
0x38: {  	s10 =	sld [smem:$0x3FBB]  }
0x39: {  	_ = 	snop;
	(pc) =	sbr.ind lr, $3  }
0x3a: {  	_ = 	snop  }
0x3b: {  	_ = 	snop  }
0x3c: {  	p2 =	seq.s32 s10, $0x1;
	s10 =	sld [smem:$0x3FBA]  }
0x3d: {  	_ =	shalt  }
0x3e: {  	_ =	shalt  }
0x3f: {  	_ =	shalt  }
0x40: {  	_ =	shalt  }
0x41: {  	_ =	shalt  }
0x42: {  	_ =	shalt  }
0x43: {  	_ =	shalt  }
0x44: {  	_ =	shalt  }
0x45: {  	_ =	shalt  }
0x46: {  	_ =	shalt  }
0x47: {  	_ =	shalt  }
0x48: {  	_ =	shalt  }
0x49: {  	_ =	shalt  }
0x4a: {  	_ =	shalt  }
0x4b: {  	_ =	shalt  }
0x4c: {  	_ =	shalt  }
0x4d: {  	_ =	shalt  }
0x4e: {  	_ =	shalt  }
0x4f: {  	_ =	shalt  }
0x50: {  	_ =	shalt  }
0x51: {  	_ =	shalt  }
0x52: {  	_ =	shalt  }
0x53: {  	_ =	shalt  }
0x54: {  	_ =	shalt  }
0x55: {  	_ =	shalt  }
0x56: {  	_ =	shalt  }
0x57: {  	_ =	shalt  }
0x58: {  	_ =	shalt  }
0x59: {  	_ =	shalt  }
0x5a: {  	_ =	shalt  }
0x5b: {  	_ =	shalt  }
0x5c: {  	_ =	shalt  }
0x5d: {  	_ =	shalt  }
0x5e: {  	_ =	shalt  }
0x5f: {  	_ =	shalt  }
0x60: {  	_ =	shalt  }
0x61: {  	_ =	shalt  }
0x62: {  	_ =	shalt  }
0x63: {  	_ =	shalt  }
0x64: {  	_ =	shalt  }
0x65: {  	_ =	shalt  }
0x66: {  	_ =	shalt  }
0x67: {  	_ =	shalt  }
0x68: {  	_ =	shalt  }
0x69: {  	_ =	shalt  }
0x6a: {  	_ =	shalt  }
0x6b: {  	_ =	shalt  }
0x6c: {  	_ =	shalt  }
0x6d: {  	_ =	shalt  }
0x6e: {  	_ =	shalt  }
0x6f: {  	_ =	shalt  }
0x70: {  	_ =	shalt  }
0x71: {  	_ =	shalt  }
0x72: {  	_ =	shalt  }
0x73: {  	_ =	shalt  }
0x74: {  	_ =	shalt  }
0x75: {  	_ =	shalt  }
0x76: {  	_ =	shalt  }
0x77: {  	_ =	shalt  }
0x78: {  	_ =	shalt  }
0x79: {  	_ =	shalt  }
0x7a: {  	_ =	shalt  }
0x7b: {  	_ =	shalt  }
0x7c: {  	_ =	shalt  }
0x7d: {  	_ =	shalt  }
0x7e: {  	_ =	shalt  }
0x7f: {  	_ =	shalt  }
0x80: {  	_ =	shalt  }
0x81: {  	_ =	shalt  }
0x82: {  	_ =	shalt  }
0x83: {  	_ =	shalt  }
0x84: {  	_ =	shalt  }
0x85: {  	_ =	shalt  }
0x86: {  	_ =	shalt  }
0x87: {  	_ =	shalt  }
.Lfunc_end0:
.L_simem_size_0:
called_computation_lowered:
.L_overlay_start_0:
0x88: {  	s2 =	sld [smem:$0x3FD9]  }
0x89: {  	s3 =	sld [smem:$0x3FFE];
	_ =	sdelay $0x1  }
0x8a: {  	s1 =	srdreg.scid  }
0x8b: {  	s0 =	sand.u32 $0x1, s1  }
0x8c: {  	s17 =	sshll.u32 s0, $0xA;
	s2 =	sadd.s32 s3, s2  }
0x8d: {  	s2 =	sadd.s32 s2, s17  }
0x8e: {  	[smem:$0x3FC6] =	sst s2  }
0x8f: {  	_ = 	snop  }
0x90: {  	s2 =	sld [smem:$0x3FD0];
	(tm) =	ssettm $0x1  }
0x91: {  	s18 =	sld [smem:$0x3FFB];
	_ =	sdelay $0x3  }
0x92: {  	_ =	strace s18  }
0x93: {  	s3 =	sld [smem:$0x3FFC];
	_ =	sdelay $0x3  }
0x94: {  	_ =	strace s3  }
0x95: {  	s3 =	sld [smem:$0x3FFD];
	_ =	sdelay $0x3  }
0x96: {  	_ =	strace s3  }
0x97: {  	_ =	strace $0x8FFFFFFF  }
0x98: {  	s19 =	sld [smem:$0x3FDB];
	_ =	sdelay $0x1  }
0x99: {  	s4 =	simm.s32 $_scs_section_size  }
0x9a: {  	s5 =	simm.s32 $_size__tile_overlayer_lowered;
	s6 =	simm.s32 $_tile_overlayer_lowered  }
0x9b: {  	s22 =	simm.s32 $0x1BFF;
	s21 =	sshll.u32 s6, $0x1;
	s3 =	sadd.s32 s4, s19  }
0x9c: {  	s7 =	simm.s32 $0x0;
	s20 =	sshll.u32 s5, $0x1;
	s5 =	sadd.s32 s21, s3  }
0x9d: {  	[timem:s7], [sflag:s22] =	dma.local [hbm:s5], s20  }
0x9e: {  	_ =	swait.ge [sflag:s22], s20  }
0x9f: {  	s4 =	ssub.s32 $0x0, s20;
	[sflag:s22] =	ssyncset.done $0x0  }
0xa0: {  	[sflag:s22] =	ssyncadd.s32 s4;
	_ =	sdelay $0x1  }
0xa1: {  	s23 =	simm.s32 $0x1B8B  }
0xa2: {  	_ =	swait.ge [sflag:s23], $0x1  }
0xa3: {  	[sflag:s23] =	ssyncset.done $0x0  }
0xa4: {  	s25 =	simm.s32 $0x1B8E;
	s24 =	sld [smem:$0x3FFE];
	[sflag:s23] =	ssyncadd.s32 $0xFFFFFFFF  }
0xa5: {  	s26 =	simm.s32 $execute0_lowered;
	[smem:$0x3FD2] =	sst s25  }
0xa6: {  	s5 =	sshll.u32 s26, $0x1;
	_ =	strace $0x80000046;
	[dreg:$0x1] =	wrdreg $0xFFFFFFFF  }
0xa7: {  	s28 =	simm.s32 $_size_execute0_lowered;
	s3 =	sadd.s32 s3, s5;
	[dreg:$0x0] =	wrdreg $0x0  }
0xa8: {  	s5 =	sshll.u32 s28, $0x1;
	[dreg:$0x2] =	wrdreg s3  }
0xa9: {  	[dreg:$0x3] =	wrdreg s5  }
0xaa: {  	[dreg:$0x4] =	wrdreg $0xC0  }
0xab: {  	_ =	task [dreg:s7], $0x5FFFF  }
0xac: {  	[dreg:$0x1] =	wrdreg $0xFFFFFFFF  }
0xad: {  	[dreg:$0x0] =	wrdreg $0x60  }
0xae: {  	[dreg:$0x2] =	wrdreg s24  }
0xaf: {  	[dreg:$0x3] =	wrdreg s2  }
0xb0: {  	[dreg:$0x4] =	wrdreg $0x9  }
0xb1: {  	_ =	task.clear_ibuf [dreg:s7], $0x5FFFF;
	_ =	strace $0x90000046  }
0xb2: {  	s29 =	simm.s32 $0x9;
	_ =	strace $0x80000048  }
0xb3: {  	_ =	swait.ge [sflag:s29], $0x1  }
0xb4: {  	[sflag:s29] =	ssyncadd.s32 $0xFFFFFFFF  }
0xb5: {  	_ =	strace $0x90000048  }
0xb6: {  	_ =	sfence  }
0xb7: {  	s30 =	sld [smem:$0x0];
	_ =	sdelay $0x2  }
0xb8: {  	s31 =	sshll.u32 s1, $0xD;
	s1 =	sshrl.u32 s1, $0x2  }
0xb9: {  	s3 =	sand.u32 $0x4000, s31;
	s1 =	sadd.s32 s1, s30  }
0xba: {  	s0 =	sor.u32 s3, s0;
	s1 =	sshll.u32 s1, $0x11  }
0xbb: {  	s0 =	sor.u32 s1, s0  }
0xbc: {  	s0 =	sadd.s32 $0x8F2B, s0  }
0xbd: {  	[sflag:s0] =	ssyncadd.remote.s32 $0x1  }
0xbe: {  	_ =	sfence.sel $0xFFFF  }
0xbf: {  	[dreg:$0x0] =	wrdreg $0xFFFFFFFF;
	(pc) =	sbr.abs _section_cstart, $3  }
0xc0: {  	[dreg:$0x1] =	wrdreg $0xFFFFFFFF  }
0xc1: {  	_ =	task.clear_ibuf [dreg:s7], $0x2FFFF;
	_ =	strace $0x9FFFFFFF  }
0xc2: {  	(tm) =	ssettm $0x7FFFFFFF  }
0xc3: {  	_ =	shalt  }
tec
execute0_lowered:
.L_overlay_start_1:
0x0: {  	(tag) =	ssettag $0x1  }
0x1: {  	s6 =	rddreg [dreg:$0x0];
	v11 =	vlaneseq.u32  }
0x2: {  	s10 =	rddreg [dreg:$0x1];
	s2 =	simm.s32 $0x0;
	v1 =	vmul.u32 $0x10, v11  }
0x3: {  	s1 =	srdreg.scid;
	[smem:$0x7FF] =	sst s2  }
0x4: {  	s5 =	sand.u32 $0x1, s1;
	s1 =	rddreg [dreg:$0x2];
	_ =	strace $0x80000047;
	v3 =	vor.u32 $0x1, v1;
	[tilespmem:$0x1FF20] =	vst v1  }
0x5: {  	v4 =	vor.u32 $0x2, v1;
	[tilespmem:$0x1FF40] =	vst v3  }
0x6: {  	v5 =	vor.u32 $0x3, v1;
	[tilespmem:$0x1FF50] =	vst v4  }
0x7: {  	v6 =	vor.u32 $0x4, v1;
	[tilespmem:$0x1FF60] =	vst v5  }
0x8: {  	v7 =	vor.u32 $0x5, v1;
	[tilespmem:$0x1FF70] =	vst v6  }
0x9: {  	s0 =	stileid.u32;
	s14 =	simm.s32 $0x1600;
	v8 =	vor.u32 $0x6, v1;
	[tilespmem:$0x1FF80] =	vst v7  }
0xa: {  	s15 =	simm.s32 $0x2600;
	s16 =	simm.s32 $0x3600;
	s17 =	simm.s32 $0x5600;
	v9 =	vor.u32 $0x7, v1;
	[tilespmem:$0x1FF90] =	vst v8  }
0xb: {  	s18 =	simm.s32 $0x0;
	s3 =	sshll.u32 s0, $0x1;
	s4 =	sadd.s32 $0x2400, s6;
	v10 =	vor.u32 $0x9, v1;
	[tilespmem:$0x1FFA0] =	vst v9  }
0xc: {  	s7 =	sor.u32 s5, s3;
	s3 =	sadd.s32 $0x2600, s6;
	s9 =	ssub.s32 $0x2, s5;
	v26 =	vor.u32 $0xA, v1;
	[tilespmem:$0x1FFB0] =	vst v10  }
0xd: {  	v0 =	vand.u32 $0x7, v11;
	s5 =	sadd.s32 $0x2200, s6;
	s11 =	sshll.u32 s7, $0x6;
	s7 =	sshll.u32 s7, $0xA;
	v27 =	vor.u32 $0xB, v1;
	[tilespmem:$0x1FFC0] =	vst v26  }
0xe: {  	v0 =	vmul.u32 $0x10, v0;
	s12 =	sshrl.u32 s9, $0x1;
	v28 =	vor.u32 $0xC, v1;
	s8 =	sadd.s32 s11, s6;
	s13 =	sadd.s32 s7, s6;
	[tilespmem:$0x1FFD0] =	vst v27  }
0xf: {  	v46 =	vor.u32 $0xD, v1;
	s12 =	ssub.s32 s9, s12;
	s10 =	sadd.s32 s10, s11;
	[tilespmem:$0x1FFE0] =	vst v28;
	s6 =	sadd.s32 $0x1A00, s8  }
0x10: {  	v2 =	vor.u32 $0xFFFFFF80, v0;
	[tilespmem:$0x1FFF0] =	vst v46;
	s7 =	sadd.s32 $0x1200, s8;
	s8 =	sadd.s32 $0xA00, s8;
	s9 =	sadd.s32 $0x2800, s13  }
0x11: {  	v48 =	vor.u32 $0x8, v1;
	s11 =	smax.u32 s12, $0x1;
	s12 =	simm.s32 $0x1;
	s13 =	simm.s32 $0x600;
	[tilespmem:$0x1FF30] =	vst v2  }
.LBB2_1:
0x12: {  	[tilespmem:s2], [sflag:$0x1] =	stream.linear.gather [hbm4b:s6+s2], $0x200, $0x38;
	[tilespmem:$0x5800] =	vst v63  }
0x13: {  	_ =	swait.ge [sflag:s12], $0x200  }
0x14: {  	[sflag:s12] =	ssyncset.done $0x0  }
0x15: {  	s19 =	simm.s32 $0x200;
	[sflag:s12] =	ssyncadd.s32 $0xFFFFFE00  }
0x16: {  	[tilespmem:s19], [sflag:$0x1] =	stream.linear.gather [hbm4b:s7+s2], $0x200, $0x38;
	[tilespmem:$0x5800] =	vst v63  }
0x17: {  	_ =	swait.ge [sflag:s12], $0x200  }
0x18: {  	[sflag:s12] =	ssyncset.done $0x0  }
0x19: {  	s20 =	simm.s32 $0x400;
	[sflag:s12] =	ssyncadd.s32 $0xFFFFFE00  }
0x1a: {  	[tilespmem:s20], [sflag:$0x1] =	stream.linear.gather [hbm4b:s8+s2], $0x200, $0x38;
	[tilespmem:$0x5800] =	vst v63  }
0x1b: {  	_ =	swait.ge [sflag:s12], $0x200  }
0x1c: {  	[sflag:s12] =	ssyncset.done $0x0  }
0x1d: {  	[sflag:s12] =	ssyncadd.s32 $0xFFFFFE00  }
0x1e: {  	[tilespmem:s13], [sflag:$0x1] =	stream.linear.gather [hbm4b:s3+s2], $0x1000, $0x38;
	[tilespmem:$0x5800] =	vst v63  }
0x1f: {  	_ =	swait.ge [sflag:s12], $0x1000  }
0x20: {  	[sflag:s12] =	ssyncset.done $0x0  }
0x21: {  	[sflag:s12] =	ssyncadd.s32 $0xFFFFF000  }
0x22: {  	[tilespmem:s14], [sflag:$0x1] =	stream.linear.gather [hbm4b:s4+s2], $0x1000, $0x38;
	[tilespmem:$0x5800] =	vst v63  }
0x23: {  	_ =	swait.ge [sflag:s12], $0x1000  }
0x24: {  	[sflag:s12] =	ssyncset.done $0x0  }
0x25: {  	[sflag:s12] =	ssyncadd.s32 $0xFFFFF000  }
0x26: {  	[tilespmem:s15], [sflag:$0x1] =	stream.linear.gather [hbm4b:s5+s2], $0x1000, $0x38;
	[tilespmem:$0x5800] =	vst v63  }
0x27: {  	_ =	swait.ge [sflag:s12], $0x1000  }
0x28: {  	[sflag:s12] =	ssyncset.done $0x0  }
0x29: {  	[sflag:s12] =	ssyncadd.s32 $0xFFFFF000  }
0x2a: {  	[tilespmem:s16], [sflag:$0x1] =	stream.linear.gather [hbm4b:s9+s2], $0x2000, $0x38;
	[tilespmem:$0x5800] =	vst v63  }
0x2b: {  	_ =	swait.ge [sflag:s12], $0x2000  }
0x2c: {  	s21 =	simm.s32 $0x5600;
	[sflag:s12] =	ssyncset.done $0x0  }
0x2d: {  	s22 =	simm.s32 $0x0;
	s23 =	simm.s32 $0x0;
	[sflag:s12] =	ssyncadd.s32 $0xFFFFE000  }
.LBB2_2:
0x2e: {  	_ =	sdelay $0x3  }
0x2f: {  	v0 =	vor.u32 s23, v1;
	v1 =	vor.u32 s23, v3;
	_ =	sdelay $0x1  }
0x30: {  	v0 =	vand.u32 v2, v0;
	_ =	sdelay $0x2  }
0x31: {  	v50 =	vor.u32 s23, v48;
	v63 =	vld.idx.msk [tilespmem:v1+s16+$0x0], $0xffff  }
0x32: {  	v10 =	vld [tilespmem:s22+$0x0];
	v1 =	vor.u32 s23, v6  }
0x33: {  	v21 =	vld.idx.msk [tilespmem:v0+s16+$0x0], $0xffff;
	v0 =	vor.u32 s23, v4  }
0x34: {  	v15 =	vld [tilespmem:s19+$0x0]  }
0x35: {  	v20 =	vld [tilespmem:s20+$0x0]  }
0x36: {  	v31 =	vld.idx.msk [tilespmem:v50+s16+$0x0], $0xffff  }
0x37: {  	v29 =	vld.idx.msk [tilespmem:v1+s16+$0x0], $0xffff  }
0x38: {  	v53 =	vld.idx.msk [tilespmem:v0+s16+$0x0], $0xffff  }
0x39: {  	v37 =	vld.idx.msk [tilespmem:v63+s13+$0x0], $0xffff  }
0x3a: {  	v0 =	vor.u32 s23, v5;
	v38 =	vld.idx.msk [tilespmem:v63+s14+$0x0], $0xffff  }
0x3b: {  	v1 =	vor.u32 s23, v8;
	v40 =	vld.idx.msk [tilespmem:v63+s15+$0x0], $0xffff  }
0x3c: {  	v12 =	vld.idx.msk [tilespmem:v21+s13+$0x0], $0xffff  }
0x3d: {  	v13 =	vld.idx.msk [tilespmem:v21+s14+$0x0], $0xffff  }
0x3e: {  	v41 =	vld.idx.msk [tilespmem:v21+s15+$0x0], $0xffff  }
0x3f: {  	v42 =	vld.idx.msk [tilespmem:v0+s16+$0x0], $0xffff;
	v0 =	vor.u32 s23, v7  }
0x40: {  	v32 =	vld.idx.msk [tilespmem:v1+s16+$0x0], $0xffff  }
0x41: {  	v57 =	vld.idx.msk [tilespmem:v29+s13+$0x0], $0xffff  }
0x42: {  	v58 =	vld.idx.msk [tilespmem:v29+s15+$0x0], $0xffff;
	v2 =	vsub.f32 v10, v12;
	v3 =	vsub.f32 v15, v13  }
0x43: {  	v44 =	vld.idx.msk [tilespmem:v53+s13+$0x0], $0xffff  }
0x44: {  	v24 =	vld.idx.msk [tilespmem:v0+s16+$0x0], $0xffff;
	v0 =	vmul.f32 v2, v2;
	v2 =	vmul.f32 v3, v3;
	v3 =	vsub.f32 v10, v37  }
0x45: {  	v49 =	vld.idx.msk [tilespmem:v53+s14+$0x0], $0xffff  }
0x46: {  	v6 =	vsub.f32 v15, v38;
	v51 =	vld.idx.msk [tilespmem:v53+s15+$0x0], $0xffff;
	v1 =	vmul.f32 v3, v3;
	v3 =	vor.u32 s23, v9  }
0x47: {  	v8 =	vsub.f32 v20, v41;
	v60 =	vld.idx.msk [tilespmem:v42+s13+$0x0], $0xffff  }
0x48: {  	v0 =	vadd.f32 v2, v0;
	v2 =	vmul.f32 v6, v6;
	v6 =	vsub.f32 v20, v40;
	v52 =	vld.idx.msk [tilespmem:v42+s14+$0x0], $0xffff  }
0x49: {  	v56 =	vld.idx.msk [tilespmem:v29+s14+$0x0], $0xffff;
	v8 =	vmul.f32 v8, v8;
	v55 =	vsub.f32 v20, v58;
	v9 =	vsub.f32 v10, v44  }
0x4a: {  	v5 =	vld.idx.msk [tilespmem:v32+s13+$0x0], $0xffff;
	v1 =	vadd.f32 v2, v1;
	v2 =	vsub.f32 v15, v49;
	v6 =	vmul.f32 v6, v6  }
0x4b: {  	v16 =	vsub.f32 v20, v51;
	v22 =	vadd.f32 v8, v0;
	v34 =	vld.idx.msk [tilespmem:v3+s16+$0x0], $0xffff  }
0x4c: {  	v9 =	vmul.f32 v9, v9;
	v2 =	vmul.f32 v2, v2;
	v25 =	vadd.f32 v6, v1;
	v4 =	vld.idx.msk [tilespmem:v24+s13+$0x0], $0xffff  }
0x4d: {  	v62 =	vld.idx.msk [tilespmem:v32+s15+$0x0], $0xffff;
	v59 =	vmul.f32 v55, v55;
	v17 =	vsub.f32 v10, v60;
	v18 =	vsub.f32 v15, v52  }
0x4e: {  	v0 =	vmul.f32 v16, v16;
	v6 =	vsub.f32 v10, v57;
	v7 =	vld.idx.msk [tilespmem:v24+s14+$0x0], $0xffff;
	v1 =	vadd.f32 v2, v9  }
0x4f: {  	v8 =	vld.idx.msk [tilespmem:v32+s14+$0x0], $0xffff;
	vm0 =	vlt.f32 v22, $-Inf;
	v2 =	vmul.f32 v17, v17;
	v3 =	vmul.f32 v18, v18  }
0x50: {  	vm1 =	vgt.f32 v22, $-Inf;
	v61 =	vld.idx.msk [tilespmem:v24+s15+$0x0], $0xffff;
	v9 =	vsub.f32 v15, v56;
	v33 =	vadd.f32 v0, v1  }
0x51: {  	v1 =	vadd.f32 v3, v2;
	v2 =	vmul.f32 v6, v6;
	[tilespmem:$0x1FD50] =	vst v4;
	v6 =	vsub.f32 v10, v4;
	v4 =	vld [tilespmem:$0x1FFB0]  }
0x52: {  	v54 =	vld.idx.msk [tilespmem:v42+s15+$0x0], $0xffff;
	v14 =	vsub.f32 v10, v5;
	vm0 =	vmor vm1, vm0;
	v3 =	vmul.f32 v9, v9  }
0x53: {  	[tilespmem:$0x1FD70] =	vst v5;
	v23 =	vsub.f32 v20, v62;
	v50 =	vsel vm0, v21, v11;
	v9 =	vsub.f32 v15, v7  }
0x54: {  	v36 =	vnsel vm0, $0xFF800000, v22;
	v35 =	vsub.f32 v15, v8;
	[tilespmem:$0x1FD60] =	vst v7;
	v2 =	vadd.f32 v3, v2;
	v5 =	vld.idx.msk [tilespmem:v34+s13+$0x0], $0xffff  }
0x55: {  	v3 =	vsub.f32 v20, v61;
	v6 =	vmul.f32 v6, v6;
	v9 =	vmul.f32 v9, v9;
	v7 =	vld.idx.msk [tilespmem:v34+s14+$0x0], $0xffff  }
0x56: {  	vm10 =	veq.f32 v36, v25;
	vm11 =	vlt.s32 v50, v63;
	v19 =	vor.u32 s23, v4  }
0x57: {  	v0 =	vsub.f32 v20, v54;
	v3 =	vmul.f32 v3, v3;
	v6 =	vadd.f32 v9, v6  }
0x58: {  	vm2 =	vlt.f32 v36, v25;
	v17 =	vmul.f32 v14, v14;
	v18 =	vmul.f32 v35, v35  }
0x59: {  	v0 =	vmul.f32 v0, v0;
	v39 =	vadd.f32 v59, v2;
	v59 =	vadd.f32 v3, v6  }
0x5a: {  	[tilespmem:$0x1FD80] =	vst v8;
	vm0 =	vmand vm11, vm10;
	v8 =	vld.idx.msk [tilespmem:v34+s15+$0x0], $0xffff;
	v2 =	vsub.f32 v10, v5;
	v3 =	vsub.f32 v15, v7  }
0x5b: {  	v30 =	vadd.f32 v0, v1;
	v0 =	vadd.f32 v18, v17;
	v1 =	vmul.f32 v23, v23;
	v23 =	vld.idx.msk [tilespmem:v19+s16+$0x0], $0xffff  }
0x5c: {  	v6 =	vor.u32 s23, v26;
	v2 =	vmul.f32 v2, v2;
	v3 =	vmul.f32 v3, v3  }
0x5d: {  	vm0 =	vmor vm2, vm0;
	v45 =	vadd.f32 v1, v0;
	v4 =	vld.idx.msk [tilespmem:v31+s13+$0x0], $0xffff  }
0x5e: {  	[tilespmem:$0x1FD90] =	vst v5;
	v0 =	vadd.f32 v3, v2;
	v2 =	vsel vm0, v25, v36;
	v3 =	vsel vm0, v63, v50  }
0x5f: {  	v5 =	vld.idx.msk [tilespmem:v31+s14+$0x0], $0xffff;
	v55 =	vsub.f32 v20, v8;
	vm12 =	veq.f32 v2, v33;
	vm13 =	vlt.s32 v3, v53  }
0x60: {  	[tilespmem:$0x1FDA0] =	vst v7;
	v7 =	vld.idx.msk [tilespmem:v31+s15+$0x0], $0xffff;
	vm14 =	vlt.f32 v2, v33;
	vm0 =	vmand vm12, vm13  }
0x61: {  	v1 =	vmul.f32 v55, v55;
	v55 =	vor.u32 s23, v28;
	v43 =	vld.idx.msk [tilespmem:v6+s16+$0x0], $0xffff;
	vm0 =	vmor vm14, vm0  }
0x62: {  	v6 =	vsub.f32 v10, v4;
	v2 =	vsel vm0, v33, v2;
	v3 =	vsel vm0, v53, v3  }
0x63: {  	[tilespmem:$0x1FDC0] =	vst v4;
	v36 =	vor.u32 s23, v27;
	vm15 =	veq.f32 v2, v30;
	vm4 =	vlt.s32 v3, v42;
	v4 =	vld.idx.msk [tilespmem:v23+s13+$0x0], $0xffff  }
0x64: {  	[tilespmem:$0x1FDD0] =	vst v5;
	v14 =	vsub.f32 v15, v5;
	vm5 =	vlt.f32 v2, v30;
	vm0 =	vmand vm15, vm4;
	v5 =	vld.idx.msk [tilespmem:v23+s14+$0x0], $0xffff  }
0x65: {  	[tilespmem:$0x1FDE0] =	vst v7;
	v35 =	vsub.f32 v20, v7;
	v6 =	vmul.f32 v6, v6;
	v7 =	vld.idx.msk [tilespmem:v23+s15+$0x0], $0xffff;
	vm0 =	vmor vm5, vm0  }
0x66: {  	v17 =	vmul.f32 v14, v14;
	v2 =	vsel vm0, v30, v2;
	v3 =	vsel vm0, v42, v3  }
0x67: {  	v47 =	vadd.f32 v1, v0;
	vm6 =	veq.f32 v2, v39;
	vm7 =	vlt.s32 v3, v29  }
0x68: {  	v0 =	vadd.f32 v17, v6;
	v36 =	vld.idx.msk [tilespmem:v36+s16+$0x0], $0xffff;
	vm8 =	vlt.f32 v2, v39;
	vm0 =	vmand vm6, vm7;
	[tilespmem:$0x1FDF0] =	vst v4  }
0x69: {  	vm0 =	vmor vm8, vm0;
	[tilespmem:$0x1FE00] =	vst v5;
	v6 =	vsub.f32 v10, v4;
	v4 =	vld.idx.msk [tilespmem:v43+s13+$0x0], $0xffff;
	v50 =	vsub.f32 v15, v5  }
0x6a: {  	v5 =	vld.idx.msk [tilespmem:v43+s14+$0x0], $0xffff;
	v26 =	vsub.f32 v20, v7;
	v2 =	vsel vm0, v39, v2;
	v3 =	vsel vm0, v29, v3  }
0x6b: {  	vm9 =	veq.f32 v2, v59;
	vm10 =	vlt.s32 v3, v24;
	vm11 =	vlt.f32 v2, v59  }
0x6c: {  	v6 =	vmul.f32 v6, v6;
	v18 =	vmul.f32 v50, v50;
	vm0 =	vmand vm9, vm10  }
0x6d: {  	v1 =	vmul.f32 v35, v35;
	vm0 =	vmor vm11, vm0  }
0x6e: {  	[tilespmem:$0x1FE10] =	vst v7;
	v26 =	vmul.f32 v26, v26;
	v6 =	vadd.f32 v18, v6;
	v2 =	vsel vm0, v59, v2  }
0x6f: {  	v7 =	vld.idx.msk [tilespmem:v43+s15+$0x0], $0xffff;
	v3 =	vsel vm0, v24, v3;
	v27 =	vsub.f32 v10, v4;
	v28 =	vsub.f32 v15, v5  }
0x70: {  	v35 =	vld.idx.msk [tilespmem:v55+s16+$0x0], $0xffff;
	vm12 =	veq.f32 v2, v45;
	vm13 =	vlt.s32 v3, v32;
	vm14 =	vlt.f32 v2, v45  }
0x71: {  	[tilespmem:$0x1FE30] =	vst v4;
	v4 =	vld.idx.msk [tilespmem:v36+s13+$0x0], $0xffff;
	vm0 =	vmand vm12, vm13;
	v14 =	vmul.f32 v27, v27;
	v27 =	vor.u32 s23, v46  }
0x72: {  	v55 =	vadd.f32 v1, v0;
	[tilespmem:$0x1FE40] =	vst v5;
	v5 =	vld.idx.msk [tilespmem:v36+s14+$0x0], $0xffff;
	v28 =	vmul.f32 v28, v28;
	vm0 =	vmor vm14, vm0  }
0x73: {  	v46 =	vadd.f32 v26, v6;
	v1 =	vsel vm0, v45, v2;
	v2 =	vsel vm0, v32, v3  }
0x74: {  	v3 =	vsub.f32 v20, v7;
	vm15 =	veq.f32 v1, v47;
	vm4 =	vlt.s32 v2, v34  }
0x75: {  	[tilespmem:$0x1FE50] =	vst v7;
	v7 =	vld.idx.msk [tilespmem:v36+s15+$0x0], $0xffff;
	v0 =	vadd.f32 v28, v14;
	vm5 =	vlt.f32 v1, v47;
	vm0 =	vmand vm15, vm4  }
0x76: {  	v6 =	vsub.f32 v10, v4;
	v3 =	vmul.f32 v3, v3;
	vm0 =	vmor vm5, vm0;
	v19 =	vld.idx.msk [tilespmem:v27+s16+$0x0], $0xffff  }
0x77: {  	[tilespmem:$0x1FE70] =	vst v4;
	v26 =	vsub.f32 v15, v5;
	v1 =	vsel vm0, v47, v1;
	v2 =	vsel vm0, v34, v2  }
0x78: {  	v4 =	vld.idx.msk [tilespmem:v35+s13+$0x0], $0xffff;
	v6 =	vmul.f32 v6, v6;
	vm6 =	veq.f32 v1, v55;
	vm7 =	vlt.s32 v2, v31  }
0x79: {  	[tilespmem:$0x1FE80] =	vst v5;
	v5 =	vld.idx.msk [tilespmem:v35+s14+$0x0], $0xffff;
	v27 =	vmul.f32 v26, v26;
	vm8 =	vlt.f32 v1, v55;
	vm0 =	vmand vm6, vm7  }
0x7a: {  	v26 =	vadd.f32 v3, v0;
	v28 =	vsub.f32 v20, v7;
	vm0 =	vmor vm8, vm0  }
0x7b: {  	[tilespmem:$0x1FE90] =	vst v7;
	v0 =	vadd.f32 v27, v6;
	v1 =	vsel vm0, v55, v1;
	v2 =	vsel vm0, v31, v2  }
0x7c: {  	v7 =	vld.idx.msk [tilespmem:v35+s15+$0x0], $0xffff;
	v3 =	vmul.f32 v28, v28;
	vm9 =	veq.f32 v1, v46;
	vm10 =	vlt.s32 v2, v23  }
0x7d: {  	[tilespmem:$0x1FEA0] =	vst v4;
	v6 =	vsub.f32 v10, v4;
	vm11 =	vlt.f32 v1, v46;
	vm0 =	vmand vm9, vm10  }
0x7e: {  	[tilespmem:$0x1FEB0] =	vst v5;
	v27 =	vsub.f32 v15, v5;
	v50 =	vadd.f32 v3, v0;
	vm0 =	vmor vm11, vm0;
	v4 =	vld.idx.msk [tilespmem:v19+s13+$0x0], $0xffff  }
0x7f: {  	v0 =	vmul.f32 v6, v6;
	v5 =	vld.idx.msk [tilespmem:v19+s14+$0x0], $0xffff;
	v1 =	vsel vm0, v46, v1;
	v2 =	vsel vm0, v23, v2  }
0x80: {  	v3 =	vmul.f32 v27, v27;
	vm12 =	veq.f32 v1, v26;
	vm13 =	vlt.s32 v2, v43  }
0x81: {  	v6 =	vsub.f32 v20, v7;
	vm14 =	vlt.f32 v1, v26;
	vm0 =	vmand vm12, vm13  }
0x82: {  	[tilespmem:$0x1FEC0] =	vst v7;
	v7 =	vld.idx.msk [tilespmem:v19+s15+$0x0], $0xffff;
	vm0 =	vmor vm14, vm0  }
0x83: {  	v0 =	vadd.f32 v3, v0;
	v3 =	vmul.f32 v6, v6;
	v1 =	vsel vm0, v26, v1  }
0x84: {  	v2 =	vsel vm0, v43, v2;
	v6 =	vsub.f32 v10, v4;
	v27 =	vsub.f32 v15, v5  }
0x85: {  	vm15 =	veq.f32 v1, v50;
	vm4 =	vlt.s32 v2, v36;
	vm5 =	vlt.f32 v1, v50  }
0x86: {  	vm0 =	vmand vm15, vm4;
	v6 =	vmul.f32 v6, v6;
	v28 =	vmul.f32 v27, v27  }
0x87: {  	v27 =	vadd.f32 v3, v0;
	vm0 =	vmor vm5, vm0;
	v0 =	vsub.f32 v20, v7  }
0x88: {  	v1 =	vsel vm0, v50, v1;
	v2 =	vsel vm0, v36, v2;
	v3 =	vadd.f32 v28, v6  }
0x89: {  	v0 =	vmul.f32 v0, v0;
	vm6 =	veq.f32 v1, v27;
	vm7 =	vlt.s32 v2, v35  }
0x8a: {  	vm8 =	vlt.f32 v1, v27;
	vm0 =	vmand vm6, vm7  }
0x8b: {  	v28 =	vadd.f32 v0, v3;
	vm0 =	vmor vm8, vm0  }
0x8c: {  	v0 =	vsel vm0, v27, v1;
	v1 =	vsel vm0, v35, v2  }
0x8d: {  	vm9 =	veq.f32 v0, v28;
	vm10 =	vlt.s32 v1, v19  }
0x8e: {  	vm11 =	vlt.f32 v0, v28;
	vm0 =	vmand vm9, vm10  }
0x8f: {  	[tilespmem:$0x1FED0] =	vst v4;
	vm0 =	vmor vm11, vm0  }
0x90: {  	[tilespmem:$0x1FEE0] =	vst v5;
	v4 =	vsel vm0, v28, v0;
	v5 =	vsel vm0, v19, v1  }
0x91: {  	vm12 =	veq.f32 v22, v4;
	vm13 =	veq.s32 v21, v5  }
0x92: {  	vm12 =	vmand vm12, vm13  }
0x93: {  	vm10 =	vgt.s32 v21, v11;
	v2 =	vsel vm12, $0xFF800000, v22  }
0x94: {  	vm14 =	veq.f32 v25, v4;
	vm15 =	vlt.f32 v2, $-Inf;
	vm6 =	vgt.f32 v2, $-Inf  }
0x95: {  	vm3 =	veq.s32 v63, v5;
	vm7 =	vmand vm10, vm12;
	vm1 =	vmor vm6, vm15  }
0x96: {  	vm11 =	vmand vm14, vm3;
	vm8 =	vmor vm7, vm1  }
0x97: {  	v6 =	vsel vm11, $0xFF800000, v25;
	v2 =	vnsel vm8, $0xFF800000, v2;
	v3 =	vsel vm8, v21, v11  }
0x98: {  	vm9 =	veq.f32 v33, v4;
	vm13 =	veq.f32 v2, v6;
	vm14 =	vlt.s32 v3, v63  }
0x99: {  	vm15 =	veq.s32 v53, v5;
	vm4 =	vlt.f32 v2, v6;
	vm1 =	vmand vm13, vm14  }
0x9a: {  	vm9 =	vmand vm9, vm15;
	vm7 =	vmor vm4, vm1  }
0x9b: {  	v2 =	vsel vm7, v6, v2;
	v3 =	vsel vm7, v63, v3;
	v6 =	vsel vm9, $0xFF800000, v33  }
0x9c: {  	vm0 =	veq.f32 v30, v4;
	vm8 =	veq.f32 v2, v6;
	vm13 =	vlt.s32 v3, v53  }
0x9d: {  	vm14 =	veq.s32 v42, v5;
	vm15 =	vlt.f32 v2, v6;
	vm1 =	vmand vm8, vm13  }
0x9e: {  	vm8 =	vmand vm0, vm14;
	vm7 =	vmor vm15, vm1  }
0x9f: {  	v2 =	vsel vm7, v6, v2;
	v3 =	vsel vm7, v53, v3;
	v6 =	vsel vm8, $0xFF800000, v30  }
0xa0: {  	vm0 =	veq.f32 v39, v4;
	vm1 =	veq.f32 v2, v6;
	vm13 =	vlt.s32 v3, v42  }
0xa1: {  	vm14 =	veq.s32 v29, v5;
	vm15 =	vlt.f32 v2, v6;
	vm1 =	vmand vm1, vm13  }
0xa2: {  	vm7 =	vmand vm0, vm14;
	vm13 =	vmor vm15, vm1  }
0xa3: {  	v2 =	vsel vm13, v6, v2;
	v3 =	vsel vm13, v42, v3;
	v6 =	vsel vm7, $0xFF800000, v39  }
0xa4: {  	vm0 =	veq.f32 v59, v4;
	vm1 =	veq.f32 v2, v6;
	vm14 =	vlt.s32 v3, v29  }
0xa5: {  	vm15 =	veq.s32 v24, v5;
	vm13 =	vlt.f32 v2, v6;
	vm1 =	vmand vm1, vm14  }
0xa6: {  	v0 =	vimm.s32 $0x0;
	vm6 =	vmand vm0, vm15;
	vm14 =	vmor vm13, vm1  }
0xa7: {  	v2 =	vsel vm14, v6, v2;
	v3 =	vsel vm14, v29, v3;
	v6 =	vsel vm6, $0xFF800000, v59  }
0xa8: {  	vm0 =	veq.f32 v45, v4;
	vm1 =	veq.f32 v2, v6;
	vm15 =	vlt.s32 v3, v24  }
0xa9: {  	vm13 =	veq.s32 v32, v5;
	vm14 =	vlt.f32 v2, v6;
	vm2 =	vmand vm1, vm15  }
0xaa: {  	vm15 =	vmand vm0, vm13;
	vm0 =	veq.f32 v47, v4;
	vm5 =	vmor vm14, vm2  }
0xab: {  	v0 =	vsel vm15, $0xFFFFFFFF, v0;
	v2 =	vsel vm5, v6, v2;
	v3 =	vsel vm5, v24, v3  }
0xac: {  	[tilespmem:$0x1FD00] =	vst v0;
	v6 =	vsel vm15, $0xFF800000, v45;
	vm15 =	veq.s32 v34, v5;
	v0 =	vimm.s32 $0x0  }
0xad: {  	vm13 =	veq.f32 v2, v6;
	vm14 =	vlt.s32 v3, v32;
	vm5 =	vlt.f32 v2, v6  }
0xae: {  	vm4 =	vmand vm0, vm15;
	vm0 =	veq.f32 v25, v22;
	vm2 =	vmand vm13, vm14  }
0xaf: {  	v0 =	vsel vm4, $0xFFFFFFFF, v0;
	vm14 =	vlt.f32 v25, v22;
	vm13 =	vmor vm5, vm2  }
0xb0: {  	[tilespmem:$0x1FD10] =	vst v0;
	vm5 =	vlt.s32 v63, v21;
	v0 =	vimm.s32 $0x0;
	v2 =	vsel vm13, v6, v2  }
0xb1: {  	v3 =	vsel vm13, v32, v3;
	v6 =	vsel vm4, $0xFF800000, v47;
	vm0 =	vmand vm5, vm0  }
0xb2: {  	vm2 =	veq.f32 v2, v6;
	vm3 =	vlt.s32 v3, v34;
	vm13 =	vlt.f32 v2, v6  }
0xb3: {  	vm0 =	vmor vm14, vm0;
	vm2 =	vmand vm2, vm3;
	vm3 =	veq.s32 v31, v5  }
0xb4: {  	v1 =	vsel vm0, v63, v21;
	vm5 =	vmor vm13, vm2;
	vm2 =	veq.f32 v55, v4  }
0xb5: {  	v2 =	vsel vm5, v6, v2;
	v6 =	vsel vm0, v25, v22;
	vm15 =	vmand vm2, vm3  }
0xb6: {  	v3 =	vsel vm5, v34, v3;
	vm0 =	vlt.s32 v53, v1;
	v0 =	vsel vm15, $0xFFFFFFFF, v0  }
0xb7: {  	vm13 =	vlt.f32 v33, v6;
	vm14 =	veq.f32 v33, v6;
	[tilespmem:$0x1FD20] =	vst v0;
	v0 =	vsel vm15, $0xFF800000, v55  }
0xb8: {  	vm5 =	vlt.s32 v3, v31;
	vm0 =	vmand vm14, vm0;
	vm3 =	veq.f32 v2, v0  }
0xb9: {  	vm14 =	vlt.f32 v2, v0;
	vm0 =	vmor vm13, vm0;
	vm3 =	vmand vm3, vm5  }
0xba: {  	vm2 =	veq.s32 v23, v5;
	v1 =	vsel vm0, v53, v1;
	vm3 =	vmor vm14, vm3  }
0xbb: {  	vm15 =	vlt.s32 v42, v1;
	v0 =	vsel vm3, v0, v2;
	v2 =	vsel vm0, v33, v6  }
0xbc: {  	vm0 =	veq.f32 v46, v4;
	v6 =	vimm.s32 $0x0;
	v3 =	vsel vm3, v31, v3  }
0xbd: {  	vm13 =	vlt.f32 v30, v2;
	vm4 =	veq.f32 v30, v2;
	vm5 =	vmand vm0, vm2  }
0xbe: {  	v6 =	vsel vm5, $0xFFFFFFFF, v6;
	vm0 =	vmand vm4, vm15;
	vm4 =	vlt.s32 v3, v23  }
0xbf: {  	vm15 =	veq.s32 v43, v5;
	[tilespmem:$0x1FD30] =	vst v6;
	v6 =	vsel vm5, $0xFF800000, v46;
	vm0 =	vmor vm13, vm0  }
0xc0: {  	vm5 =	veq.f32 v26, v4;
	vm3 =	veq.f32 v0, v6;
	vm13 =	vlt.f32 v0, v6  }
0xc1: {  	v2 =	vsel vm0, v30, v2;
	vm15 =	vmand vm5, vm15;
	vm3 =	vmand vm3, vm4  }
0xc2: {  	v1 =	vsel vm0, v42, v1;
	vm5 =	veq.s32 v36, v5;
	vm13 =	vmor vm13, vm3  }
0xc3: {  	vm1 =	veq.f32 v39, v2;
	v0 =	vsel vm13, v6, v0;
	v6 =	vimm.s32 $0x0  }
0xc4: {  	vm4 =	veq.f32 v50, v4;
	v3 =	vsel vm13, v23, v3;
	v6 =	vsel vm15, $0xFFFFFFFF, v6  }
0xc5: {  	vm14 =	vlt.f32 v39, v2;
	vm2 =	vlt.s32 v3, v43;
	[tilespmem:$0x1FD40] =	vst v6;
	v6 =	vsel vm15, $0xFF800000, v26  }
0xc6: {  	vm15 =	vlt.s32 v29, v1;
	vm0 =	veq.f32 v0, v6;
	vm3 =	vlt.f32 v0, v6  }
0xc7: {  	vm1 =	vmand vm1, vm15;
	vm15 =	vmand vm4, vm5;
	vm13 =	vmand vm0, vm2  }
0xc8: {  	vm0 =	vmor vm14, vm1;
	vm2 =	veq.f32 v27, v4;
	vm13 =	vmor vm3, vm13  }
0xc9: {  	v0 =	vsel vm13, v6, v0;
	v3 =	vsel vm13, v43, v3;
	v6 =	vsel vm15, $0xFF800000, v50  }
0xca: {  	v2 =	vsel vm0, v39, v2;
	vm4 =	veq.f32 v0, v6;
	vm13 =	vlt.s32 v3, v36  }
0xcb: {  	vm3 =	veq.s32 v35, v5;
	vm5 =	vlt.f32 v0, v6;
	vm1 =	vmand vm4, vm13  }
0xcc: {  	v1 =	vsel vm0, v29, v1;
	vm0 =	veq.s32 v19, v5;
	vm1 =	vmor vm5, vm1  }
0xcd: {  	vm13 =	veq.f32 v59, v2;
	vm5 =	vmand vm2, vm3;
	v0 =	vsel vm1, v6, v0  }
0xce: {  	v3 =	vsel vm1, v36, v3;
	v6 =	vsel vm5, $0xFF800000, v27;
	vm1 =	vlt.s32 v24, v1  }
0xcf: {  	vm14 =	veq.f32 v0, v6;
	vm4 =	vlt.s32 v3, v35;
	vm2 =	vmand vm13, vm1  }
0xd0: {  	vm13 =	vlt.f32 v59, v2;
	vm3 =	vmand vm14, vm4;
	vm14 =	veq.f32 v28, v4  }
0xd1: {  	vm4 =	vlt.f32 v0, v6;
	vm2 =	vmor vm13, vm2;
	vm14 =	vmand vm14, vm0  }
0xd2: {  	vm4 =	vmor vm4, vm3;
	v2 =	vsel vm2, v59, v2;
	v5 =	vsel vm2, v24, v1  }
0xd3: {  	v0 =	vsel vm4, v6, v0;
	v3 =	vsel vm4, v35, v3;
	v4 =	vsel vm14, $0xFF800000, v28  }
0xd4: {  	vm2 =	vlt.s32 v32, v5;
	vm13 =	veq.f32 v0, v4;
	vm4 =	vlt.s32 v3, v19  }
0xd5: {  	vm0 =	vmand vm13, vm4;
	vm13 =	vlt.f32 v0, v4;
	vm4 =	veq.f32 v45, v2  }
0xd6: {  	vm0 =	vmor vm13, vm0;
	vm1 =	vmand vm4, vm2  }
0xd7: {  	[tilespmem:$0x1FEF0] =	vst v7;
	v1 =	vsel vm0, v4, v0;
	v7 =	vsel vm0, v19, v3;
	vm0 =	vlt.f32 v45, v2  }
0xd8: {  	vm2 =	veq.f32 v22, v1;
	vm13 =	veq.s32 v21, v7;
	vm0 =	vmor vm0, vm1  }
0xd9: {  	vm4 =	vmand vm2, vm13;
	v2 =	vsel vm0, v45, v2;
	v3 =	vsel vm0, v32, v5  }
0xda: {  	vm13 =	vmor vm12, vm4;
	vm0 =	veq.f32 v47, v2;
	vm1 =	vlt.s32 v34, v3  }
0xdb: {  	vm3 =	vlt.f32 v47, v2;
	vm4 =	veq.s32 v63, v7;
	v4 =	vsel vm13, $0xFF800000, v22  }
0xdc: {  	vm0 =	vmand vm0, vm1;
	vm2 =	vlt.f32 v4, $-Inf;
	vm12 =	vgt.f32 v4, $-Inf  }
0xdd: {  	vm0 =	vmor vm3, vm0;
	vm1 =	vmor vm12, vm2;
	vm2 =	vmand vm10, vm13  }
0xde: {  	vm10 =	veq.f32 v25, v1;
	v2 =	vsel vm0, v47, v2;
	v3 =	vsel vm0, v34, v3  }
0xdf: {  	vm10 =	vmand vm10, vm4;
	vm1 =	vmor vm2, vm1;
	vm2 =	veq.s32 v53, v7  }
0xe0: {  	vm10 =	vmor vm11, vm10;
	v4 =	vnsel vm1, $0xFF800000, v4;
	v5 =	vsel vm1, v21, v11  }
0xe1: {  	vm1 =	veq.f32 v33, v1;
	v6 =	vsel vm10, $0xFF800000, v25;
	vm4 =	vlt.s32 v5, v63  }
0xe2: {  	vm0 =	vmand vm1, vm2;
	vm2 =	veq.f32 v55, v2;
	vm12 =	veq.f32 v4, v6  }
0xe3: {  	vm1 =	vmand vm12, vm4;
	vm12 =	vlt.s32 v31, v3;
	vm4 =	vlt.f32 v4, v6  }
0xe4: {  	vm3 =	veq.s32 v42, v7;
	vm2 =	vmand vm2, vm12;
	vm4 =	vmor vm4, vm1  }
0xe5: {  	vm12 =	vmor vm9, vm0;
	vm0 =	vlt.f32 v55, v2;
	v4 =	vsel vm4, v6, v4  }
0xe6: {  	v5 =	vsel vm4, v63, v5;
	v6 =	vsel vm12, $0xFF800000, v33;
	vm0 =	vmor vm0, vm2  }
0xe7: {  	vm2 =	veq.f32 v30, v1;
	vm9 =	veq.f32 v4, v6;
	vm11 =	vlt.s32 v5, v53  }
0xe8: {  	vm4 =	vlt.f32 v4, v6;
	vm2 =	vmand vm2, vm3;
	v2 =	vsel vm0, v55, v2  }
0xe9: {  	v3 =	vsel vm0, v31, v3;
	vm3 =	veq.f32 v39, v1;
	vm1 =	vmand vm9, vm11  }
0xea: {  	vm11 =	vmor vm8, vm2;
	vm0 =	veq.f32 v46, v2;
	vm1 =	vmor vm4, vm1  }
0xeb: {  	vm2 =	vlt.f32 v46, v2;
	v4 =	vsel vm1, v6, v4;
	v6 =	vsel vm11, $0xFF800000, v30  }
0xec: {  	v5 =	vsel vm1, v53, v5;
	vm1 =	vlt.s32 v23, v3;
	vm8 =	veq.f32 v4, v6  }
0xed: {  	vm9 =	vlt.s32 v5, v42;
	vm0 =	vmand vm0, vm1;
	vm4 =	vlt.f32 v4, v6  }
0xee: {  	vm1 =	vmand vm8, vm9;
	vm8 =	veq.s32 v29, v7;
	vm0 =	vmor vm2, vm0  }
0xef: {  	vm2 =	veq.s32 v24, v7;
	vm8 =	vmand vm3, vm8;
	vm1 =	vmor vm4, vm1  }
0xf0: {  	v2 =	vsel vm0, v46, v2;
	v3 =	vsel vm0, v23, v3;
	vm9 =	vmor vm7, vm8  }
0xf1: {  	v4 =	vsel vm1, v6, v4;
	v5 =	vsel vm1, v42, v5;
	vm1 =	veq.f32 v59, v1  }
0xf2: {  	v6 =	vsel vm9, $0xFF800000, v39;
	vm7 =	vlt.s32 v5, v29;
	vm0 =	vmand vm1, vm2  }
0xf3: {  	v0 =	vld [tilespmem:$0x1FD00];
	vm2 =	veq.f32 v26, v2;
	vm3 =	veq.f32 v4, v6;
	vm8 =	vmor vm6, vm0  }
0xf4: {  	vm1 =	vmand vm3, vm7;
	vm3 =	vlt.s32 v43, v3;
	vm7 =	vlt.f32 v4, v6  }
0xf5: {  	vm0 =	vlt.f32 v26, v2;
	vm2 =	vmand vm2, vm3;
	vm4 =	vmor vm7, vm1  }
0xf6: {  	vm3 =	veq.s32 v32, v7;
	v4 =	vsel vm4, v6, v4;
	v5 =	vsel vm4, v29, v5  }
0xf7: {  	v6 =	vsel vm8, $0xFF800000, v59;
	vm0 =	vmor vm0, vm2;
	vm2 =	veq.f32 v45, v1  }
0xf8: {  	vm4 =	vnez.u8 v0;
	vm6 =	veq.f32 v4, v6;
	vm7 =	vlt.s32 v5, v24  }
0xf9: {  	vm2 =	vmand vm2, vm3;
	v2 =	vsel vm0, v26, v2;
	v3 =	vsel vm0, v43, v3  }
0xfa: {  	vm3 =	veq.f32 v47, v1;
	vm1 =	vmand vm6, vm7;
	vm6 =	vlt.f32 v4, v6  }
0xfb: {  	v0 =	vld [tilespmem:$0x1FD10];
	vm7 =	vmor vm4, vm2;
	vm0 =	veq.f32 v50, v2;
	vm1 =	vmor vm6, vm1  }
0xfc: {  	v4 =	vsel vm1, v6, v4;
	v5 =	vsel vm1, v24, v5;
	v6 =	vsel vm7, $0xFF800000, v45  }
0xfd: {  	vm1 =	vlt.s32 v36, v3;
	vm2 =	veq.f32 v4, v6;
	vm6 =	vlt.s32 v5, v32  }
0xfe: {  	vm1 =	vmand vm0, vm1;
	vm4 =	vmand vm2, vm6;
	vm2 =	vlt.f32 v50, v2  }
0xff: {  	vm0 =	vlt.f32 v4, v6;
	vm6 =	veq.s32 v34, v7;
	vm2 =	vmor vm2, vm1  }
0x100: {  	vm1 =	vmand vm3, vm6;
	vm0 =	vmor vm0, vm4;
	vm6 =	vnez.u8 v0  }
0x101: {  	v0 =	vimm.s32 $0x0;
	vm3 =	veq.s32 v31, v7;
	vm1 =	vmor vm6, vm1  }
0x102: {  	v4 =	vsel vm0, v6, v4;
	v2 =	vsel vm2, v50, v2;
	v0 =	vsel vm1, $0xFFFFFFFF, v0  }
0x103: {  	v5 =	vsel vm0, v32, v5;
	vm0 =	veq.f32 v55, v1;
	v6 =	vsel vm1, $0xFF800000, v47;
	[tilespmem:$0x1FE20] =	vst v0;
	v0 =	vld [tilespmem:$0x1FD20]  }
0x104: {  	v3 =	vsel vm2, v36, v3;
	vm6 =	vlt.s32 v5, v34;
	vm4 =	veq.f32 v4, v6  }
0x105: {  	vm1 =	vmand vm0, vm3;
	vm0 =	vlt.f32 v4, v6;
	vm2 =	vmand vm4, vm6  }
0x106: {  	vm3 =	veq.f32 v27, v2;
	vm4 =	vlt.s32 v35, v3;
	vm0 =	vmor vm0, vm2  }
0x107: {  	vm3 =	vmand vm3, vm4;
	vm2 =	veq.f32 v46, v1;
	v4 =	vsel vm0, v6, v4  }
0x108: {  	v5 =	vsel vm0, v34, v5;
	vm0 =	vlt.f32 v27, v2;
	vm4 =	vnez.u8 v0;
	v0 =	vld [tilespmem:$0x1FD30]  }
0x109: {  	vm0 =	vmor vm0, vm3;
	vm3 =	veq.s32 v23, v7;
	vm6 =	vmor vm4, vm1  }
0x10a: {  	vm2 =	vmand vm2, vm3;
	v18 =	vsel vm0, v27, v2;
	v6 =	vsel vm6, $0xFF800000, v55  }
0x10b: {  	v2 =	vsel vm0, v35, v3;
	vm4 =	vlt.s32 v5, v31;
	vm1 =	veq.f32 v4, v6  }
0x10c: {  	vm0 =	veq.f32 v28, v18;
	vm1 =	vmand vm1, vm4;
	vm4 =	vlt.f32 v4, v6  }
0x10d: {  	vm1 =	vmor vm4, vm1;
	vm4 =	vnez.u8 v0;
	v0 =	vimm.s32 $0x0  }
0x10e: {  	v3 =	vsel vm1, v6, v4;
	vm2 =	vmor vm4, vm2;
	v4 =	vsel vm1, v31, v5  }
0x10f: {  	vm1 =	vlt.s32 v19, v2;
	v0 =	vsel vm2, $0xFFFFFFFF, v0;
	v5 =	vsel vm2, $0xFF800000, v46  }
0x110: {  	vm3 =	vlt.s32 v4, v23;
	vm4 =	vmand vm0, vm1;
	[tilespmem:$0x1FE60] =	vst v0;
	vm2 =	veq.f32 v3, v5;
	v0 =	vld [tilespmem:$0x1FD40]  }
0x111: {  	vm0 =	vlt.f32 v3, v5;
	vm1 =	vmand vm2, vm3;
	vm2 =	veq.f32 v26, v1  }
0x112: {  	vm3 =	veq.s32 v43, v7;
	vm0 =	vmor vm0, vm1;
	vm1 =	vlt.f32 v28, v18  }
0x113: {  	vm3 =	vmand vm2, vm3;
	vm2 =	vmor vm1, vm4  }
0x114: {  	v17 =	vsel vm2, v19, v2  }
0x115: {  	v3 =	vsel vm0, v5, v3;
	vm4 =	vnez.u8 v0  }
0x116: {  	v2 =	vsel vm0, v23, v4;
	v0 =	vimm.s32 $0x0;
	vm1 =	vmor vm4, vm3  }
0x117: {  	vm4 =	vlt.s32 v2, v43;
	vm3 =	veq.s32 v36, v7;
	v4 =	vsel vm1, $0xFF800000, v26  }
0x118: {  	v0 =	vsel vm1, $0xFFFFFFFF, v0;
	vm1 =	veq.f32 v50, v1;
	vm0 =	veq.f32 v3, v4  }
0x119: {  	vm1 =	vmand vm1, vm3;
	vm0 =	vmand vm0, vm4;
	vm4 =	vlt.f32 v3, v4;
	v11 =	vld.idx.msk [tilespmem:v17+s13+$0x0], $0xffff  }
0x11a: {  	vm15 =	vmor vm15, vm1;
	v9 =	vld.idx.msk [tilespmem:v17+s14+$0x0], $0xffff;
	vm1 =	veq.s32 v35, v7;
	vm0 =	vmor vm4, vm0  }
0x11b: {  	[tilespmem:$0x1FF00] =	vst v0;
	v0 =	vsel vm15, $0xFF800000, v50;
	v4 =	vsel vm0, v4, v3;
	v5 =	vsel vm0, v43, v2  }
0x11c: {  	vm0 =	veq.f32 v27, v1;
	vm3 =	veq.f32 v4, v0;
	vm4 =	vlt.s32 v5, v36  }
0x11d: {  	v2 =	vimm.s32 $0x0;
	vm0 =	vmand vm0, vm1;
	vm1 =	vmand vm3, vm4  }
0x11e: {  	vm3 =	vlt.f32 v4, v0;
	vm4 =	vmor vm5, vm0;
	vm0 =	veq.f32 v28, v1  }
0x11f: {  	v2 =	vsel vm4, $0xFFFFFFFF, v2;
	v13 =	vsub.f32 v13, v9;
	v16 =	vsub.f32 v10, v11  }
0x120: {  	vm5 =	vmor vm3, vm1;
	v37 =	vsub.f32 v37, v11;
	v10 =	vsub.f32 v38, v9  }
0x121: {  	vm1 =	veq.s32 v19, v7;
	v14 =	vsub.f32 v15, v9;
	v44 =	vsub.f32 v44, v11  }
0x122: {  	v0 =	vsel vm5, v0, v4;
	v4 =	vsel vm5, v36, v5;
	v5 =	vsel vm4, $0xFF800000, v27  }
0x123: {  	[tilespmem:$0x1FF10] =	vst v2;
	v2 =	vsub.f32 v12, v11;
	vm0 =	vmand vm0, vm1;
	vm3 =	veq.f32 v0, v5  }
0x124: {  	vm4 =	vlt.s32 v4, v35;
	v1 =	vmul.f32 v13, v13;
	v15 =	vmul.f32 v37, v37  }
0x125: {  	v12 =	vld.idx.msk [tilespmem:v17+s15+$0x0], $0xffff;
	v13 =	vmul.f32 v13, v14;
	vm1 =	vmand vm3, vm4;
	vm3 =	vlt.f32 v0, v5  }
0x126: {  	v7 =	vmul.f32 v2, v2;
	v6 =	vmul.f32 v2, v16;
	vm1 =	vmor vm3, vm1  }
0x127: {  	v2 =	vmul.f32 v44, v44;
	vm3 =	vmor vm14, vm0;
	v0 =	vsel vm1, v5, v0  }
0x128: {  	[tilespmem:$0x1FDB0] =	vst v8;
	v8 =	vadd.f32 v1, v7;
	v7 =	vsel vm1, v35, v4;
	v5 =	vsel vm3, $0xFF800000, v28  }
0x129: {  	v1 =	vmul.f32 v10, v10;
	v6 =	vadd.f32 v13, v6;
	vm14 =	veq.f32 v0, v5  }
0x12a: {  	vm1 =	vlt.s32 v7, v19;
	v41 =	vsub.f32 v41, v12;
	v38 =	vsub.f32 v40, v12  }
0x12b: {  	v40 =	vsub.f32 v49, v9;
	vm4 =	vlt.f32 v0, v5;
	vm0 =	vmand vm14, vm1  }
0x12c: {  	v4 =	vadd.f32 v1, v15;
	v49 =	vmul.f32 v41, v41;
	vm0 =	vmor vm4, vm0  }
0x12d: {  	v3 =	vmul.f32 v38, v38;
	v1 =	vmul.f32 v40, v40;
	v15 =	vsel vm0, v5, v0  }
0x12e: {  	v0 =	vsel vm2, v28, v18;
	v18 =	vsub.f32 v54, v12;
	v8 =	vadd.f32 v49, v8  }
0x12f: {  	v10 =	vmul.f32 v10, v14;
	v3 =	vadd.f32 v3, v4;
	v2 =	vadd.f32 v1, v2  }
0x130: {  	v13 =	vsel vm0, v19, v7;
	v1 =	vsub.f32 v20, v12;
	v4 =	vsub.f32 v51, v12  }
0x131: {  	vm5 =	veq.f32 v22, v15;
	vm14 =	veq.s32 v21, v13;
	vm4 =	veq.f32 v25, v15  }
0x132: {  	v51 =	vmul.f32 v37, v16;
	v20 =	vsub.f32 v52, v9;
	v7 =	vmul.f32 v4, v4  }
0x133: {  	vm1 =	veq.f32 v33, v15;
	v5 =	vmul.f32 v41, v1;
	(erf) = vrcp.f32 v8  }
0x134: {  	vm0 =	vmand vm5, vm14;
	(erf) = vrcp.f32 v3;
	v2 =	vadd.f32 v7, v2  }
0x135: {  	v5 =	vadd.f32 v5, v6;
	v6 =	vadd.f32 v10, v51;
	v7 =	vmul.f32 v38, v1  }
0x136: {  	vm5 =	veq.s32 v63, v13;
	v10 =	vsub.f32 v60, v11;
	(erf) = vrcp.f32 v2  }
0x137: {  	v60 =	vmul.f32 v44, v16;
	v6 =	vadd.f32 v7, v6;
	v7 =	vmul.f32 v40, v14  }
0x138: {  	vm14 =	veq.s32 v53, v13;
	v49 =	vmul.f32 v18, v18;
	vm2 =	vmand vm4, vm5  }
0x139: {  	v41 =	vmul.f32 v20, v20;
	v40 =	vmul.f32 v10, v10;
	v7 =	vadd.f32 v7, v60  }
0x13a: {  	vm14 =	vmand vm1, vm14;
	v4 =	vmul.f32 v4, v1;
	vm1 =	veq.f32 v22, v0  }
0x13b: {  	vm4 =	veq.s32 v21, v17;
	v20 =	vmul.f32 v20, v14;
	v37 =	vadd.f32 v41, v40  }
0x13c: {  	vm1 =	vmand vm1, vm4;
	v44 =	vmul.f32 v5, v5;
	v4 =	vadd.f32 v4, v7  }
0x13d: {  	vm0 =	vmor vm1, vm0;
	v51 =	vmul.f32 v6, v6;
	v52 =	vadd.f32 v49, v37;
	v7 =	vpop (erf)  }
0x13e: {  	vm1 =	veq.f32 v25, v0;
	v60 =	vmul.f32 v4, v4;
	v7 =	vmul.f32 v7, v44;
	v54 =	vpop (erf)  }
0x13f: {  	vm0 =	vmor vm13, vm0;
	vm13 =	veq.s32 v63, v17;
	(erf) = vrcp.f32 v52;
	v40 =	vpop (erf)  }
0x140: {  	v21 =	vmul.f32 v54, v51;
	v5 =	vsub.f32 v7, v5;
	v7 =	vmul.f32 v40, v60  }
0x141: {  	v3 =	vmul.f32 $2.500000000e-01, v3;
	vm1 =	vmand vm1, vm13;
	v10 =	vmul.f32 v10, v16  }
0x142: {  	v2 =	vmul.f32 $2.500000000e-01, v2;
	v6 =	vsub.f32 v21, v6;
	v4 =	vsub.f32 v7, v4  }
0x143: {  	v7 =	vmul.f32 $2.500000000e-01, v8;
	v8 =	vadd.f32 v20, v10;
	v10 =	vmul.f32 v18, v1  }
0x144: {  	vm5 =	veq.s32 v53, v17;
	vm1 =	vmor vm1, vm2;
	v3 =	vadd.f32 v6, v3  }
0x145: {  	vm1 =	vmor vm10, vm1;
	v2 =	vadd.f32 v4, v2;
	v4 =	vadd.f32 v10, v8  }
0x146: {  	vm4 =	veq.f32 v33, v0;
	v5 =	vadd.f32 v5, v7;
	v3 =	vsel vm1, $0x7F800000, v3  }
0x147: {  	vm1 =	vmand vm4, vm5;
	v7 =	vsub.f32 v57, v11;
	v6 =	vmul.f32 v4, v4  }
0x148: {  	v8 =	vsub.f32 v56, v9;
	vm1 =	vmor vm1, vm14;
	v5 =	vmin.f32 v5, v3;
	v10 =	vpop (erf)  }
0x149: {  	vm10 =	vmor vm12, vm1;
	v3 =	vsel vm0, v3, v5;
	v5 =	vmul.f32 v10, v6  }
0x14a: {  	v2 =	vmin.f32 v3, v2;
	v6 =	vmul.f32 v7, v7;
	v10 =	vmul.f32 v8, v8  }
0x14b: {  	v2 =	vsel vm10, v3, v2;
	v3 =	vsub.f32 v5, v4;
	v5 =	vsub.f32 v58, v12  }
0x14c: {  	v4 =	vadd.f32 v10, v6;
	v6 =	vmul.f32 $2.500000000e-01, v52  }
0x14d: {  	v10 =	vmul.f32 v5, v5  }
0x14e: {  	v3 =	vadd.f32 v3, v6;
	v6 =	vmul.f32 v7, v16;
	v7 =	vld [tilespmem:$0x1FD50]  }
0x14f: {  	v4 =	vadd.f32 v10, v4;
	v10 =	vld [tilespmem:$0x1FD60];
	_ =	sdelay $0x1  }
0x150: {  	vm13 =	veq.f32 v30, v0  }
0x151: {  	vm14 =	veq.s32 v42, v13;
	vm12 =	veq.f32 v30, v15;
	vm10 =	veq.s32 v42, v17  }
0x152: {  	v49 =	vld [tilespmem:$0x1FD70];
	vm0 =	vmand vm12, vm14;
	vm1 =	vmand vm13, vm10  }
0x153: {  	v51 =	vld [tilespmem:$0x1FD80];
	vm0 =	vmor vm1, vm0;
	v7 =	vsub.f32 v7, v11;
	v10 =	vsub.f32 v10, v9  }
0x154: {  	v41 =	vsub.f32 v61, v12;
	v8 =	vmul.f32 v8, v14;
	vm0 =	vmor vm11, vm0  }
0x155: {  	v3 =	vmin.f32 v2, v3;
	v42 =	vmul.f32 v7, v7;
	v44 =	vmul.f32 v10, v10  }
0x156: {  	v5 =	vmul.f32 v5, v1;
	v2 =	vsel vm0, v2, v3;
	v3 =	vadd.f32 v8, v6  }
0x157: {  	v8 =	vmul.f32 v41, v41;
	(erf) = vrcp.f32 v4;
	v6 =	vadd.f32 v44, v42  }
0x158: {  	v20 =	vsub.f32 v49, v11;
	v21 =	vsub.f32 v51, v9  }
0x159: {  	v3 =	vadd.f32 v5, v3;
	v5 =	vadd.f32 v8, v6  }
0x15a: {  	v54 =	vmul.f32 v20, v16;
	v56 =	vmul.f32 v21, v14  }
0x15b: {  	vm12 =	veq.f32 v39, v15;
	vm13 =	veq.s32 v29, v13;
	(erf) = vrcp.f32 v5  }
0x15c: {  	v52 =	vmul.f32 v21, v21;
	v6 =	vsub.f32 v62, v12;
	v8 =	vmul.f32 v20, v20  }
0x15d: {  	vm10 =	veq.f32 v59, v15;
	v7 =	vmul.f32 v7, v16;
	v10 =	vmul.f32 v10, v14  }
0x15e: {  	vm14 =	vmand vm12, vm13;
	v8 =	vadd.f32 v52, v8;
	v53 =	vmul.f32 v6, v6  }
0x15f: {  	v25 =	vmul.f32 v3, v3;
	v7 =	vadd.f32 v10, v7;
	v10 =	vmul.f32 v41, v1  }
0x160: {  	vm12 =	veq.f32 v39, v0;
	vm13 =	veq.s32 v29, v17;
	v29 =	vpop (erf);
	v8 =	vadd.f32 v53, v8  }
0x161: {  	v60 =	vld [tilespmem:$0x1FDA0];
	vm1 =	vmand vm12, vm13;
	v7 =	vadd.f32 v10, v7;
	v25 =	vmul.f32 v29, v25  }
0x162: {  	vm0 =	vmor vm1, vm14;
	vm14 =	veq.f32 v59, v0;
	(erf) = vrcp.f32 v8  }
0x163: {  	v59 =	vld [tilespmem:$0x1FD90];
	v4 =	vmul.f32 $2.500000000e-01, v4;
	v57 =	vmul.f32 v7, v7;
	v3 =	vsub.f32 v25, v3  }
0x164: {  	v10 =	vadd.f32 v56, v54;
	v58 =	vpop (erf)  }
0x165: {  	v6 =	vmul.f32 v6, v1;
	v3 =	vadd.f32 v3, v4;
	v4 =	vmul.f32 v58, v57  }
0x166: {  	v22 =	vsub.f32 v60, v9  }
0x167: {  	vm11 =	veq.s32 v24, v13;
	v6 =	vadd.f32 v6, v10;
	v10 =	vld [tilespmem:$0x1FDB0];
	v4 =	vsub.f32 v4, v7  }
0x168: {  	vm2 =	vmand vm10, vm11;
	vm10 =	veq.s32 v24, v17;
	v21 =	vsub.f32 v59, v11  }
0x169: {  	vm0 =	vmor vm9, vm0;
	vm1 =	vmand vm14, vm10;
	v5 =	vmul.f32 $2.500000000e-01, v5  }
0x16a: {  	v61 =	vmul.f32 v21, v21;
	v3 =	vmin.f32 v2, v3;
	v7 =	vmul.f32 v6, v6  }
0x16b: {  	v33 =	vld [tilespmem:$0x1FDD0];
	v62 =	vmul.f32 v22, v22;
	v2 =	vsel vm0, v2, v3;
	v3 =	vadd.f32 v4, v5;
	v4 =	vpop (erf)  }
0x16c: {  	vm11 =	vmor vm1, vm2;
	v10 =	vsub.f32 v10, v12;
	v4 =	vmul.f32 v4, v7;
	v7 =	vld [tilespmem:$0x1FDC0]  }
0x16d: {  	v18 =	vadd.f32 v62, v61;
	vm0 =	vmor vm8, vm11;
	v3 =	vmin.f32 v2, v3  }
0x16e: {  	v63 =	vmul.f32 v10, v10;
	v2 =	vsel vm0, v2, v3;
	v3 =	vsub.f32 v4, v6;
	v4 =	vld [tilespmem:$0x1FDE0];
	_ =	sdelay $0x1  }
0x16f: {  	v5 =	vadd.f32 v63, v18  }
0x170: {  	v18 =	vsub.f32 v33, v9;
	v7 =	vsub.f32 v7, v11  }
0x171: {  	v39 =	vld [tilespmem:$0x1FDF0];
	(erf) = vrcp.f32 v5  }
0x172: {  	v37 =	vmul.f32 v18, v18;
	v4 =	vsub.f32 v4, v12;
	v6 =	vmul.f32 v7, v7  }
0x173: {  	v21 =	vmul.f32 v21, v16;
	v22 =	vmul.f32 v22, v14  }
0x174: {  	v40 =	vld [tilespmem:$0x1FE00];
	v6 =	vadd.f32 v37, v6;
	v38 =	vmul.f32 v4, v4  }
0x175: {  	v21 =	vadd.f32 v22, v21;
	v10 =	vmul.f32 v10, v1  }
0x176: {  	v20 =	vsub.f32 v39, v11;
	v6 =	vadd.f32 v38, v6  }
0x177: {  	vm4 =	veq.s32 v32, v17;
	v41 =	vld [tilespmem:$0x1FE10];
	v10 =	vadd.f32 v10, v21  }
0x178: {  	vm5 =	veq.f32 v47, v15;
	v24 =	vmul.f32 v20, v20;
	(erf) = vrcp.f32 v6  }
0x179: {  	v22 =	vsub.f32 v40, v9;
	v8 =	vmul.f32 $2.500000000e-01, v8;
	v29 =	vmul.f32 v10, v10  }
0x17a: {  	vm12 =	veq.f32 v45, v15;
	v18 =	vmul.f32 v18, v14;
	v7 =	vmul.f32 v7, v16;
	v42 =	vpop (erf)  }
0x17b: {  	v25 =	vmul.f32 v22, v22;
	v3 =	vadd.f32 v3, v8;
	v8 =	vmul.f32 v42, v29  }
0x17c: {  	v21 =	vsub.f32 v41, v12;
	v7 =	vadd.f32 v18, v7;
	v4 =	vmul.f32 v4, v1  }
0x17d: {  	vm13 =	veq.s32 v32, v13;
	vm14 =	veq.f32 v45, v0;
	v8 =	vsub.f32 v8, v10  }
0x17e: {  	v24 =	vadd.f32 v25, v24;
	v25 =	vmul.f32 v21, v21;
	v4 =	vadd.f32 v4, v7  }
0x17f: {  	vm9 =	veq.s32 v31, v13;
	vm10 =	veq.f32 v47, v0;
	v5 =	vmul.f32 $2.500000000e-01, v5  }
0x180: {  	vm1 =	vmand vm14, vm4;
	v7 =	vadd.f32 v25, v24;
	v10 =	vmul.f32 v4, v4  }
0x181: {  	v44 =	vmul.f32 v22, v14;
	vm0 =	vmand vm12, vm13;
	v5 =	vadd.f32 v8, v5;
	v8 =	vpop (erf)  }
0x182: {  	vm0 =	vmor vm1, vm0;
	(erf) = vrcp.f32 v7;
	v8 =	vmul.f32 v8, v10  }
0x183: {  	vm11 =	veq.s32 v34, v17;
	vm0 =	vmor vm7, vm0;
	v3 =	vmin.f32 v2, v3  }
0x184: {  	v2 =	vsel vm0, v2, v3;
	v3 =	vmul.f32 v20, v16;
	v4 =	vsub.f32 v8, v4;
	v8 =	vld [tilespmem:$0x1FE20]  }
0x185: {  	vm14 =	veq.s32 v31, v17;
	vm8 =	veq.f32 v55, v15;
	vm2 =	vmand vm10, vm11  }
0x186: {  	vm7 =	veq.s32 v34, v13;
	v3 =	vadd.f32 v44, v3;
	v10 =	vmul.f32 v21, v1  }
0x187: {  	vm12 =	veq.f32 v55, v0;
	vm0 =	vmand vm5, vm7;
	v6 =	vmul.f32 $2.500000000e-01, v6  }
0x188: {  	vm1 =	vmand vm8, vm9;
	vm0 =	vmor vm2, vm0;
	v3 =	vadd.f32 v10, v3  }
0x189: {  	vm2 =	vmand vm12, vm14;
	v5 =	vmin.f32 v2, v5;
	vm13 =	vnez.u8 v8  }
0x18a: {  	v4 =	vadd.f32 v4, v6;
	v8 =	vmul.f32 v3, v3;
	vm0 =	vmor vm13, vm0  }
0x18b: {  	vm7 =	vmor vm2, vm1;
	v6 =	vpop (erf);
	v2 =	vsel vm0, v2, v5  }
0x18c: {  	v5 =	vmul.f32 v6, v8;
	vm0 =	vmor vm6, vm7;
	v4 =	vmin.f32 v2, v4  }
0x18d: {  	v2 =	vsel vm0, v2, v4;
	v4 =	vld [tilespmem:$0x1FE30]  }
0x18e: {  	v3 =	vsub.f32 v5, v3;
	v5 =	vld [tilespmem:$0x1FE40];
	_ =	sdelay $0x4  }
0x18f: {  	v4 =	vsub.f32 v4, v11;
	v5 =	vsub.f32 v5, v9  }
0x190: {  	v6 =	vmul.f32 $2.500000000e-01, v7  }
0x191: {  	v7 =	vld [tilespmem:$0x1FE50];
	v8 =	vmul.f32 v4, v4;
	v10 =	vmul.f32 v5, v5;
	_ =	sdelay $0x1  }
0x192: {  	v3 =	vadd.f32 v3, v6;
	v6 =	vadd.f32 v10, v8;
	v10 =	vld [tilespmem:$0x1FE60];
	_ =	sdelay $0x1  }
0x193: {  	vm10 =	veq.f32 v46, v0;
	vm11 =	veq.s32 v23, v17  }
0x194: {  	vm8 =	veq.f32 v46, v15;
	vm9 =	veq.s32 v23, v13;
	v7 =	vsub.f32 v7, v12  }
0x195: {  	vm12 =	vmand vm10, vm11;
	vm0 =	vmand vm8, vm9  }
0x196: {  	vm0 =	vmor vm12, vm0;
	v8 =	vmul.f32 v7, v7;
	vm13 =	vnez.u8 v10  }
0x197: {  	v3 =	vmin.f32 v2, v3;
	vm0 =	vmor vm13, vm0  }
0x198: {  	v2 =	vsel vm0, v2, v3;
	v3 =	vadd.f32 v8, v6;
	v6 =	vld [tilespmem:$0x1FE70]  }
0x199: {  	v4 =	vmul.f32 v4, v16;
	v5 =	vmul.f32 v5, v14;
	v8 =	vld [tilespmem:$0x1FE80];
	_ =	sdelay $0x1  }
0x19a: {  	v4 =	vadd.f32 v5, v4;
	v5 =	vmul.f32 v7, v1;
	v7 =	vld [tilespmem:$0x1FE90];
	_ =	sdelay $0x2  }
0x19b: {  	v6 =	vsub.f32 v6, v11;
	v8 =	vsub.f32 v8, v9  }
0x19c: {  	v47 =	vld [tilespmem:$0x1FEA0];
	vm14 =	veq.f32 v26, v15  }
0x19d: {  	v49 =	vld [tilespmem:$0x1FEB0];
	v7 =	vsub.f32 v7, v12;
	v10 =	vmul.f32 v6, v6;
	v45 =	vmul.f32 v8, v8  }
0x19e: {  	vm10 =	veq.f32 v50, v15;
	vm9 =	veq.s32 v43, v13;
	v4 =	vadd.f32 v5, v4  }
0x19f: {  	v54 =	vld [tilespmem:$0x1FED0];
	(erf) = vrcp.f32 v3;
	v5 =	vadd.f32 v45, v10;
	v10 =	vmul.f32 v7, v7  }
0x1a0: {  	v55 =	vld [tilespmem:$0x1FEE0];
	vm11 =	veq.s32 v36, v13;
	vm8 =	veq.s32 v35, v13;
	vm14 =	vmand vm14, vm9  }
0x1a1: {  	vm9 =	veq.s32 v19, v13;
	v13 =	vsub.f32 v47, v11;
	v5 =	vadd.f32 v10, v5;
	v10 =	vld [tilespmem:$0x1FEC0]  }
0x1a2: {  	vm12 =	veq.f32 v27, v15;
	vm13 =	veq.f32 v28, v15;
	v15 =	vsub.f32 v49, v9  }
0x1a3: {  	v52 =	vmul.f32 v13, v13;
	(erf) = vrcp.f32 v5  }
0x1a4: {  	v58 =	vld [tilespmem:$0x1FEF0];
	vm2 =	vmand vm10, vm11;
	v51 =	vmul.f32 v4, v4;
	v53 =	vmul.f32 v15, v15  }
0x1a5: {  	v11 =	vsub.f32 v54, v11;
	v6 =	vmul.f32 v6, v16;
	v8 =	vmul.f32 v8, v14  }
0x1a6: {  	v3 =	vmul.f32 $2.500000000e-01, v3;
	v9 =	vsub.f32 v55, v9;
	v10 =	vsub.f32 v10, v12  }
0x1a7: {  	v59 =	vmul.f32 v11, v11;
	v6 =	vadd.f32 v8, v6;
	v7 =	vmul.f32 v7, v1  }
0x1a8: {  	v20 =	vadd.f32 v53, v52;
	v24 =	vmul.f32 v9, v9;
	v57 =	vpop (erf);
	v56 =	vmul.f32 v10, v10  }
0x1a9: {  	v6 =	vadd.f32 v7, v6;
	v18 =	vmul.f32 v57, v51;
	v12 =	vsub.f32 v58, v12  }
0x1aa: {  	v11 =	vmul.f32 v11, v16;
	v60 =	vadd.f32 v24, v59;
	v8 =	vadd.f32 v56, v20  }
0x1ab: {  	v62 =	vmul.f32 v6, v6;
	v4 =	vsub.f32 v18, v4;
	v61 =	vmul.f32 v12, v12  }
0x1ac: {  	vm10 =	veq.f32 v26, v0;
	v9 =	vmul.f32 v9, v14;
	(erf) = vrcp.f32 v8;
	v63 =	vpop (erf)  }
0x1ad: {  	v3 =	vadd.f32 v4, v3;
	v7 =	vadd.f32 v61, v60;
	v4 =	vmul.f32 v63, v62  }
0x1ae: {  	vm11 =	veq.s32 v43, v17;
	v13 =	vmul.f32 v13, v16;
	v15 =	vmul.f32 v15, v14  }
0x1af: {  	(erf) = vrcp.f32 v7;
	v4 =	vsub.f32 v4, v6;
	v6 =	vadd.f32 v9, v11;
	v11 =	vld [tilespmem:$0x1FF00]  }
0x1b0: {  	vm6 =	vmand vm12, vm8;
	v13 =	vadd.f32 v15, v13;
	v10 =	vmul.f32 v10, v1  }
0x1b1: {  	vm12 =	veq.f32 v50, v0;
	vm4 =	vmand vm13, vm9;
	vm0 =	vmand vm10, vm11  }
0x1b2: {  	vm0 =	vmor vm0, vm14;
	vm14 =	veq.s32 v36, v17;
	v10 =	vadd.f32 v10, v13  }
0x1b3: {  	vm9 =	veq.f32 v27, v0;
	vm8 =	vmand vm12, vm14;
	v1 =	vmul.f32 v12, v1  }
0x1b4: {  	v46 =	vld [tilespmem:$0x1FFF0];
	v5 =	vmul.f32 $2.500000000e-01, v5;
	v9 =	vmul.f32 v10, v10;
	vm13 =	vnez.u8 v11  }
0x1b5: {  	v26 =	vld [tilespmem:$0x1FFC0];
	v3 =	vmin.f32 v2, v3;
	v1 =	vadd.f32 v1, v6;
	vm0 =	vmor vm13, vm0;
	v11 =	vpop (erf)  }
0x1b6: {  	v27 =	vld [tilespmem:$0x1FFD0];
	vm12 =	veq.f32 v28, v0;
	v9 =	vmul.f32 v11, v9;
	v2 =	vsel vm0, v2, v3  }
0x1b7: {  	v0 =	vld [tilespmem:$0x1FF10];
	v3 =	vadd.f32 v4, v5;
	vm0 =	vmor vm8, vm2;
	v5 =	vmul.f32 v1, v1  }
0x1b8: {  	vm10 =	veq.s32 v35, v17;
	v28 =	vld [tilespmem:$0x1FFE0];
	v6 =	vmul.f32 $2.500000000e-01, v8;
	v8 =	vpop (erf);
	vm0 =	vmor vm15, vm0  }
0x1b9: {  	v4 =	vsub.f32 v9, v10;
	v9 =	vld [tilespmem:$0x1FFA0];
	v5 =	vmul.f32 v8, v5;
	v3 =	vmin.f32 v2, v3  }
0x1ba: {  	vm11 =	vmand vm9, vm10;
	vm14 =	veq.s32 v19, v17;
	v8 =	vld [tilespmem:$0x1FF90];
	v2 =	vsel vm0, v2, v3  }
0x1bb: {  	v3 =	vadd.f32 v4, v6;
	v6 =	vld [tilespmem:$0x1FF70];
	v1 =	vsub.f32 v5, v1;
	v4 =	vmul.f32 $2.500000000e-01, v7  }
0x1bc: {  	p0 =	sne.s32 s23, $0x1F00;
	vm1 =	vmand vm12, vm14;
	vm13 =	vnez.u8 v0;
	vm0 =	vmor vm11, vm6;
	v5 =	vld [tilespmem:$0x1FF60]  }
.Ltmp0:
0x1bd: {  	v7 =	vld [tilespmem:$0x1FF80];
	vm0 =	vmor vm13, vm0;
	v0 =	vadd.f32 v1, v4;
	v1 =	vmin.f32 v2, v3;
	(pc) =	sbr.rel @p0 .LBB2_2-.Ltmp0, $4  }
0x1be: {  	vm15 =	vmor vm1, vm4;
	v4 =	vld [tilespmem:$0x1FF50];
	v1 =	vsel vm0, v2, v1  }
0x1bf: {  	v3 =	vld [tilespmem:$0x1FF40];
	vm0 =	vmor vm3, vm15;
	v0 =	vmin.f32 v1, v0  }
0x1c0: {  	s22 =	sadd.s32 $0x10, s22;
	s19 =	sadd.s32 $0x10, s19;
	v2 =	vld [tilespmem:$0x1FF30];
	v0 =	vsel vm0, v1, v0  }
0x1c1: {  	s20 =	sadd.s32 $0x10, s20;
	s23 =	sadd.s32 $0x100, s23;
	v11 =	vlaneseq.u32;
	v1 =	vld [tilespmem:$0x1FF20];
	[tilespmem:s21+$0x0] =	vst v0;
	s21 =	sadd.s32 $0x10, s21  }
0x1c2: {  	s18 =	sadd.s32 $0x1, s18  }
0x1c3: {  	p0 =	sne.s32 s18, s11  }
.Ltmp1:
0x1c4: {  	_ = 	snop;
	(pc) =	sbr.rel @p0 .LBB2_1-.Ltmp1, $4  }
0x1c5: {  	[hbm4b:s10+s2] =	stream.linear.scatter [tilespmem:s17], [sflag:$0x1], $0x200, $0x38;
	[tilespmem:$0x5800] =	vst v63  }
0x1c6: {  	_ =	swait.ge [sflag:s12], $0x200  }
0x1c7: {  	[sflag:s12] =	ssyncset.done $0x0  }
0x1c8: {  	[sflag:s12] =	ssyncadd.s32 $0xFFFFFE00  }
0x1c9: {  	_ =	sfence.sel $0x180000  }
0x1ca: {  	[bflag:$0x0] =	sbarrier.arrive $0xFFFF  }
0x1cb: {  	p0 =	sne.s32 s0, $0x0;
	_ =	strace $0x90000047  }
0x1cc: {  	s0 =	sadd.s32 @!p0 $0x100000, s1;
	[bflag:$0x2] =	sbarrier.arrive $0xFFFF  }
0x1cd: {  	[sflag:s0] =	ssyncadd.tile.s32 @!p0 $0x1;
	_ =	shalt  }
.Lfunc_end2:
_tile_overlayer_lowered:
.L_overlay_start_2:
0x1ce: {  	(tag) =	ssettag $0x2  }
0x1cf: {  	s0 =	rddreg [dreg:$0x0];
	s2 =	stileid.u32  }
0x1d0: {  	s1 =	rddreg [dreg:$0x1];
	p0 =	sne.s32 s2, $0x0  }
0x1d1: {  	s3 =	rddreg [dreg:$0x2];
	[bflag:$0x3] =	sbarrier.arrive $0xFFFF;
	s2 =	simm.s32 @!p0 $0x1C01  }
0x1d2: {  	[timem:s3], [sflag:s2] =	dma.local @!p0 [hbm:s0], s1  }
0x1d3: {  	s0 =	simm.s32 @!p0 $0x1  }
0x1d4: {  	_ =	swait.ge @!p0 [sflag:s0], s1  }
0x1d5: {  	s1 =	ssub.s32 @!p0 $0x0, s1;
	[sflag:s0] =	ssyncset.done @!p0 $0x0  }
0x1d6: {  	[sflag:s0] =	ssyncadd.s32 @!p0 s1  }
0x1d7: {  	[bflag:$0x3] =	sbarrier.arrive $0xFFFF  }
0x1d8: {  	_ =	shalt  }

</sc_bundles>
